<compile_context>
chip_gen: v7x
topology: tpu7x:2x2x1
jax: 0.10.2.dev20260603
libtpu: 0.0.44.dev20260713+nightly
codegen_flags: <defaults>
</compile_context>

<pallas_src>
import functools

import jax
import jax.numpy as jnp
from jax import lax
from jax.experimental import pallas as pl
from jax.experimental.pallas import tpu as pltpu
from jax.experimental.pallas import tpu_sc as plsc

_H = 384
_W = 384
_SUB = 2
_HS = _H // _SUB
_WS = _W // _SUB
_NPAD = 1024
_RB = 256
_NEV = 3 * _NPAD
_NEVP = _NEV + 16

_NC, _NS = 2, 16
_NW = _NC * _NS
_NACT = 24
_BAND = _HS // _NACT


def _match_body(b_ref, bpT_ref, sc_ref, spr_ref,
                outA_ref, outBv_ref, outBb_ref, outC_ref, macc_ref):
    step = pl.program_id(0)
    rows = b_ref[...]
    ax1 = rows[:, 0:1]
    ay1 = rows[:, 1:2]
    ax2 = rows[:, 2:3]
    ay2 = rows[:, 3:4]
    bx1 = bpT_ref[0:1, :]
    by1 = bpT_ref[1:2, :]
    bx2 = bpT_ref[2:3, :]
    by2 = bpT_ref[3:4, :]
    xl = jnp.maximum(ax1, bx1)
    yt = jnp.maximum(ay1, by1)
    xr = jnp.minimum(ax2, bx2)
    yb = jnp.minimum(ay2, by2)
    inter = (xr - xl) * (yb - yt)
    inter = jnp.where((xr >= xl) & (yb >= yt), inter, 0.0)
    area_a = (ax2 - ax1) * (ay2 - ay1)
    area_b = (bx2 - bx1) * (by2 - by1)
    iou = inter / (area_a + area_b - inter)

    best_iou = jnp.max(iou, axis=1, keepdims=True)
    col = jax.lax.broadcasted_iota(jnp.int32, iou.shape, 1)
    best_j = jnp.min(jnp.where(iou == best_iou, col, jnp.int32(1 << 30)),
                     axis=1, keepdims=True)
    has_match = best_iou > 0.0
    ig = 1.0 - best_iou

    outA_ref[...] = ig * sc_ref[...]

    onehot = col == best_j
    sp_best = jnp.sum(jnp.where(onehot, spr_ref[...], 0.0),
                      axis=1, keepdims=True)
    outBv_ref[...] = jnp.where(has_match, ig * sp_best, 0.0)
    gathered = [jnp.sum(jnp.where(onehot, bpT_ref[c:c + 1, :], 0.0),
                        axis=1, keepdims=True) for c in range(4)]
    outBb_ref[...] = jnp.concatenate(gathered, axis=1)

    contrib = jnp.sum(jnp.where(onehot & has_match, 1.0, 0.0),
                      axis=0, keepdims=True)

    @pl.when(step == 0)
    def _init():
        macc_ref[...] = jnp.zeros_like(macc_ref)

    macc_ref[...] = macc_ref[...] + contrib

    outC_ref[...] = jnp.where(macc_ref[...] > 0.0, 0.0, spr_ref[...])


def _paint_sc(ev_hbm, out_hbm, ev_v, bin_v, outb_v, *rows_v):
    cax = lax.axis_index("c")
    sax = lax.axis_index("s")
    wid = sax * _NC + cax

    @pl.when(wid < _NACT)
    def _active():
        _paint_band(wid, ev_hbm, out_hbm, ev_v, bin_v, outb_v, rows_v)


def _paint_band(wid, ev_hbm, out_hbm, ev_v, bin_v, outb_v, rows_v):
    lo_i = (wid * _BAND).astype(jnp.int32)
    lo_f = lo_i.astype(jnp.float32)
    hi_f = lo_f + jnp.float32(_BAND)

    pltpu.sync_copy(ev_hbm, ev_v)

    iota = lax.iota(jnp.int32, 16)
    zeros16 = jnp.zeros((16,), jnp.float32)

    def zero_body(i, zc):
        off = i * 16
        for r in range(_BAND):
            rows_v[r][pl.ds(off, 16)] = zeros16
        return zc

    lax.fori_loop(0, _WS // 16, zero_body, jnp.int32(0))

    def scan_body(i, cnt):
        off = i * 16
        y1 = ev_v[pl.ds(off, 16)]
        y2 = ev_v[pl.ds(_NEVP + off, 16)]
        vv = ev_v[pl.ds(4 * _NEVP + off, 16)]
        m = (y1 < hi_f) & (y2 > lo_f) & (vv > 0.0)
        mi = m.astype(jnp.int32)
        incl = plsc.cumsum(mi)
        plsc.store_scatter(bin_v, [cnt + incl - mi], off + iota, mask=m)
        return cnt + incl[15]

    total = lax.fori_loop(0, _NEV // 16, scan_body, jnp.int32(0))
    bin_v[pl.ds(total, 16)] = jnp.full((16,), _NEV, jnp.int32)

    row_sel = jnp.minimum(iota, 4) * _NEVP

    e0 = bin_v[pl.ds(0, 16)][0]
    f0 = plsc.load_gather(ev_v, [row_sel + e0])

    def ev_body(j, fcur):
        en = bin_v[pl.ds(j + 1, 16)][0]
        fnext = plsc.load_gather(ev_v, [row_sel + en])
        y1 = fcur[0]
        y2 = fcur[1]
        x1 = fcur[2]
        x2 = fcur[3]
        val = fcur[4]
        r0 = jnp.maximum(y1, lo_f).astype(jnp.int32) - lo_i
        r1 = jnp.minimum(y2, hi_f).astype(jnp.int32) - lo_i
        c0 = x1.astype(jnp.int32)
        w = x2.astype(jnp.int32) - c0
        m0 = iota < w
        m1 = iota < (w - 16)
        vs = jnp.full((16,), val, jnp.float32)
        gs = []
        for r in range(_BAND):
            ok = (r >= r0) & (r < r1)
            a0 = jnp.where(ok, c0, _WS) + iota
            a1 = a0 + 16
            g0 = plsc.load_gather(rows_v[r], [a0])
            g1 = plsc.load_gather(rows_v[r], [a1])
            gs.append((r, a0, a1, g0, g1))
        for r, a0, a1, g0, g1 in gs:
            plsc.store_scatter(rows_v[r], [a0], jnp.maximum(g0, vs),
                               mask=m0)
            plsc.store_scatter(rows_v[r], [a1], jnp.maximum(g1, vs),
                               mask=m1)
        return fnext

    lax.fori_loop(0, total, ev_body, f0)

    half = iota >> 1

    def ups_body(ch, uc):
        for r in range(_BAND):
            g = plsc.load_gather(rows_v[r], [8 * ch + half])
            outb_v[pl.ds(2 * r * _W + 16 * ch, 16)] = g
            outb_v[pl.ds((2 * r + 1) * _W + 16 * ch, 16)] = g
        return uc

    lax.fori_loop(0, _W // 16, ups_body, jnp.int32(0))
    pltpu.sync_copy(outb_v,
                    out_hbm.at[pl.ds(wid * 2 * _BAND * _W, 2 * _BAND * _W)])


_paint_sc_call = functools.partial(
    pl.kernel,
    out_type=jax.ShapeDtypeStruct((_H * _W,), jnp.float32),
    mesh=plsc.VectorSubcoreMesh(core_axis_name="c", subcore_axis_name="s",
                                num_cores=_NC, num_subcores=_NS),
    scratch_types=[
        pltpu.VMEM((5 * _NEVP,), jnp.float32),
        pltpu.VMEM((_NEV + 32,), jnp.int32),
        pltpu.VMEM((2 * _BAND * _W,), jnp.float32),
    ] + [pltpu.VMEM((_WS + 48,), jnp.float32) for _ in range(_BAND)],
    compiler_params=pltpu.CompilerParams(needs_layout_passes=False),
)(_paint_sc)


def kernel(inputs, boxes, scores, boxes_prev, scores_prev):
    n = boxes.shape[0]
    m = boxes_prev.shape[0]
    b = jnp.floor(boxes / _SUB)
    bp = jnp.floor(boxes_prev / _SUB)
    b_pad = jnp.zeros((_NPAD, 4), jnp.float32).at[:n].set(b)
    bp_pad = jnp.zeros((_NPAD, 4), jnp.float32).at[:m].set(bp)
    sc_pad = jnp.zeros((_NPAD, 1), jnp.float32).at[:n, 0].set(scores)
    spr_row = jnp.zeros((1, _NPAD), jnp.float32).at[0, :m].set(scores_prev)
    bpT = bp_pad.T

    steps = _NPAD // _RB
    outA, outBv, outBb, outC = pl.pallas_call(
        _match_body,
        grid=(steps,),
        in_specs=[
            pl.BlockSpec((_RB, 4), lambda i: (i, 0)),
            pl.BlockSpec((4, _NPAD), lambda i: (0, 0)),
            pl.BlockSpec((_RB, 1), lambda i: (i, 0)),
            pl.BlockSpec((1, _NPAD), lambda i: (0, 0)),
        ],
        out_specs=[
            pl.BlockSpec((_RB, 1), lambda i: (i, 0)),
            pl.BlockSpec((_RB, 1), lambda i: (i, 0)),
            pl.BlockSpec((_RB, 4), lambda i: (i, 0)),
            pl.BlockSpec((1, _NPAD), lambda i: (0, 0)),
        ],
        out_shape=[
            jax.ShapeDtypeStruct((_NPAD, 1), jnp.float32),
            jax.ShapeDtypeStruct((_NPAD, 1), jnp.float32),
            jax.ShapeDtypeStruct((_NPAD, 4), jnp.float32),
            jax.ShapeDtypeStruct((1, _NPAD), jnp.float32),
        ],
        scratch_shapes=[pltpu.VMEM((1, _NPAD), jnp.float32)],
    )(b_pad, bpT, sc_pad, spr_row)

    ev_boxes = jnp.concatenate([b_pad, outBb, bp_pad], axis=0)
    ev_vals = jnp.concatenate([outA[:, 0], outBv[:, 0], outC[0, :]])
    ev = jnp.zeros((5, _NEVP), jnp.float32)
    ev = ev.at[:, :_NEV].set(jnp.stack([ev_boxes[:, 1], ev_boxes[:, 3],
                                        ev_boxes[:, 0], ev_boxes[:, 2],
                                        ev_vals])).reshape(-1)

    mask = _paint_sc_call(ev)
    return mask.reshape(1, 1, _H, _W)

# --- scband reference (transcript-rebuilt; emitter-appended) ---
"""Pipeline reference for scband-information-gain-object-detection-23785528885845 (READ-ONLY COPY).

The authoritative reference and input builder live on the scoring server;
editing this copy changes nothing except your own understanding.
"""

import jax, jax.numpy as jnp
import numpy as np

SUBSAMPLE = 2
H = 384
W = 384
N_CUR = 1000
N_PREV = 1000


def _make_boxes(key, n):
    k1, k2 = jax.random.split(key)
    xy1 = jax.random.uniform(k1, (n, 2), minval=0.0, maxval=float(min(H, W)) - 72.0)
    wh = jax.random.uniform(k2, (n, 2), minval=8.0, maxval=64.0)
    return jnp.concatenate([xy1, xy1 + wh], axis=1)  # (x1, y1, x2, y2)


def setup_inputs(seed: int = 0) -> dict:
    key = jax.random.key(seed)
    k1, k2, k3, k4, k5 = jax.random.split(key, 5)
    return {
        "inputs": jax.random.normal(k1, (1, 3, H, W), dtype=jnp.float32),
        "boxes": _make_boxes(k2, N_CUR),
        "scores": jax.random.uniform(k3, (N_CUR,), minval=0.05, maxval=1.0),
        "boxes_prev": _make_boxes(k4, N_PREV),
        "scores_prev": jax.random.uniform(k5, (N_PREV,), minval=0.05, maxval=1.0),
    }


def _iou_matrix(a, b):
    ax1, ay1, ax2, ay2 = a[:, 0:1], a[:, 1:2], a[:, 2:3], a[:, 3:4]
    bx1, by1, bx2, by2 = b[None, :, 0], b[None, :, 1], b[None, :, 2], b[None, :, 3]
    xl = jnp.maximum(ax1, bx1)
    yt = jnp.maximum(ay1, by1)
    xr = jnp.minimum(ax2, bx2)
    yb = jnp.minimum(ay2, by2)
    inter = (xr - xl) * (yb - yt)
    inter = jnp.where((xr >= xl) & (yb >= yt), inter, 0.0)
    area_a = (ax2 - ax1) * (ay2 - ay1)
    area_b = (bx2 - bx1) * (by2 - by1)
    return inter / (area_a + area_b - inter)


def _paint_max(bxs, vals, hs, ws):
    # max-paint each box region with its value (order-independent: sequential
    # torch.max writes == elementwise max over all paint events)
    ys = jnp.arange(hs, dtype=jnp.float32)
    xs = jnp.arange(ws, dtype=jnp.float32)
    in_y = (ys[None, :] >= bxs[:, 1:2]) & (ys[None, :] < bxs[:, 3:4])  # [K, hs]
    in_x = (xs[None, :] >= bxs[:, 0:1]) & (xs[None, :] < bxs[:, 2:3])  # [K, ws]
    m = in_y[:, :, None] & in_x[:, None, :]  # [K, hs, ws]
    return jnp.max(jnp.where(m, vals[:, None, None], 0.0), axis=0)


def _forward(inputs, boxes, scores, boxes_prev, scores_prev):
    _, _, h, w = inputs.shape
    hs, ws = h // SUBSAMPLE, w // SUBSAMPLE
    # bbox coords are divided by SUBSAMPLE then int-cast (coords >= 0 -> floor)
    b = jnp.floor(boxes / SUBSAMPLE)
    bp = jnp.floor(boxes_prev / SUBSAMPLE)
    iou = _iou_matrix(b, bp)  # [N, M]
    best_iou = jnp.max(iou, axis=1)
    best_j = jnp.argmax(iou, axis=1)  # first max, like the python loop
    has_match = best_iou > 0.0  # best_j stays None in torch unless iou > 0
    ig = 1.0 - best_iou
    # event A: current boxes painted with ig * score
    layer_a = _paint_max(b, ig * scores, hs, ws)
    # event B: matched prev box painted with ig * prev_score
    vals_b = jnp.where(has_match, ig * scores_prev[best_j], 0.0)
    layer_b = _paint_max(bp[best_j], vals_b, hs, ws)
    # event C: unmatched prev boxes painted with prev_score
    matched_f = jnp.zeros((boxes_prev.shape[0],), dtype=jnp.float32).at[best_j].max(
        has_match.astype(jnp.float32))
    vals_c = jnp.where(matched_f > 0.0, 0.0, scores_prev)
    layer_c = _paint_max(bp, vals_c, hs, ws)
    mask_sub = jnp.maximum(jnp.maximum(layer_a, layer_b), layer_c)
    mask = mask_sub[None, None, :, :]  # (1, num_classes=1, hs, ws)
    # F.interpolate(..., scale_factor=SUBSAMPLE, mode='nearest')
    mask = jnp.repeat(jnp.repeat(mask, SUBSAMPLE, axis=2), SUBSAMPLE, axis=3)
    return mask


def reference(inputs, boxes, scores, boxes_prev, scores_prev):
    return _forward(inputs, boxes, scores, boxes_prev, scores_prev)

if __name__ == "__main__":
    import jax
    _d = setup_inputs()
    print(jax.jit(kernel)(*tuple(_d.values())))

</pallas_src>

<mosaic_0001>
#map = affine_map<(d0, d1) -> (0)>
module attributes {stable_mosaic.version = 14 : i64} {
  func.func @_paint_sc(%arg0: i32, %arg1: i32, %arg2: memref<15440xf32, #tpu.memory_space<hbm>>, %arg3: memref<147456xf32, #tpu.memory_space<hbm>>, %arg4: memref<15440xf32, #tpu.memory_space<vmem>>, %arg5: memref<3104xi32, #tpu.memory_space<vmem>>, %arg6: memref<6144xf32, #tpu.memory_space<vmem>>, %arg7: memref<240xf32, #tpu.memory_space<vmem>>, %arg8: memref<240xf32, #tpu.memory_space<vmem>>, %arg9: memref<240xf32, #tpu.memory_space<vmem>>, %arg10: memref<240xf32, #tpu.memory_space<vmem>>, %arg11: memref<240xf32, #tpu.memory_space<vmem>>, %arg12: memref<240xf32, #tpu.memory_space<vmem>>, %arg13: memref<240xf32, #tpu.memory_space<vmem>>, %arg14: memref<240xf32, #tpu.memory_space<vmem>>) attributes {dimension_semantics = [#tpu.dimension_semantics<core_parallel>, #tpu.dimension_semantics<subcore_parallel>], iteration_bounds = array<i64: 2, 16>, scalar_prefetch = 0 : i64, scratch_operands = 11 : i64, tpu.core_type = #tpu.core_type<sc_vector_subcore>, window_params = [{transform_indices = #map}, {transform_indices = #map}]} {
    %mul3A = arith.constant 2 : i32
    %mul3A_0 = arith.muli %arg1, %mul3A : i32
    %add3A = arith.addi %mul3A_0, %arg0 : i32
    %lt3A = arith.constant 24 : i32
    %lt3A_1 = arith.cmpi slt, %add3A, %lt3A : i32
    %convert_element_type3A = arith.extui %lt3A_1 : i1 to i32
    %cond3A = arith.constant 0 : i32
    %cond3A_2 = arith.cmpi ne, %convert_element_type3A, %cond3A : i32
    scf.if %cond3A_2 {
      %mul3A_3 = arith.constant 8 : i32
      %mul3A_4 = arith.muli %add3A, %mul3A_3 : i32
      %convert_element_type3A_5 = arith.sitofp %mul3A_4 : i32 to f32
      %add3A_6 = arith.constant 8.000000e+00 : f32
      %add3A_7 = arith.addf %convert_element_type3A_5, %add3A_6 : f32
      "tpu.region"() ({
        %run_scoped3A = tpu.sem_alloc : memref<!tpu.dma_semaphore, #tpu.memory_space<semaphore_mem>>
        tpu.enqueue_dma source(%arg2 : memref<15440xf32, #tpu.memory_space<hbm>>) target(%arg4 : memref<15440xf32, #tpu.memory_space<vmem>>) target_semaphore(%run_scoped3A : memref<!tpu.dma_semaphore, #tpu.memory_space<semaphore_mem>>)
        tpu.wait_dma2 semaphore(%run_scoped3A : memref<!tpu.dma_semaphore, #tpu.memory_space<semaphore_mem>>) src(%arg2 : memref<15440xf32, #tpu.memory_space<hbm>>) dst(%arg4 : memref<15440xf32, #tpu.memory_space<vmem>>)
        tpu.yield
      }) : () -> ()
      %iota3A = tpu.iota {dimensions = array<i32: 0>} : vector<16xi32>
      %broadcast_in_dim3A = arith.constant 0.000000e+00 : f32
      %broadcast_in_dim3A_8 = vector.broadcast %broadcast_in_dim3A : f32 to vector<16xf32>
      %scan3A = arith.constant 0 : i32
      %scan3A_9 = arith.constant 0 : i32
      %scan3A_10 = arith.constant 12 : i32
      %scan3A_11 = arith.addi %scan3A_9, %scan3A_10 : i32
      %scan3A_12 = arith.constant 1 : i32
      scf.for %scan3A_56 = %scan3A_9 to %scan3A_11 step %scan3A_12  : i32 {
        %mul3A_57 = arith.constant 16 : i32
        %mul3A_58 = arith.muli %scan3A_56, %mul3A_57 : i32
        %swap3A_59 = arith.index_cast %mul3A_58 : i32 to index
        %swap3A_60 = tpu.vector_load %arg7[%swap3A_59] {strides = array<i32>} : memref<240xf32, #tpu.memory_space<vmem>>, vector<16xf32>,
        tpu.vector_store %arg7[%swap3A_59], %broadcast_in_dim3A_8 {strides = array<i32>} : memref<240xf32, #tpu.memory_space<vmem>>, vector<16xf32>,
        %swap3A_61 = arith.index_cast %mul3A_58 : i32 to index
        %swap3A_62 = tpu.vector_load %arg8[%swap3A_61] {strides = array<i32>} : memref<240xf32, #tpu.memory_space<vmem>>, vector<16xf32>,
        tpu.vector_store %arg8[%swap3A_61], %broadcast_in_dim3A_8 {strides = array<i32>} : memref<240xf32, #tpu.memory_space<vmem>>, vector<16xf32>,
        %swap3A_63 = arith.index_cast %mul3A_58 : i32 to index
        %swap3A_64 = tpu.vector_load %arg9[%swap3A_63] {strides = array<i32>} : memref<240xf32, #tpu.memory_space<vmem>>, vector<16xf32>,
        tpu.vector_store %arg9[%swap3A_63], %broadcast_in_dim3A_8 {strides = array<i32>} : memref<240xf32, #tpu.memory_space<vmem>>, vector<16xf32>,
        %swap3A_65 = arith.index_cast %mul3A_58 : i32 to index
        %swap3A_66 = tpu.vector_load %arg10[%swap3A_65] {strides = array<i32>} : memref<240xf32, #tpu.memory_space<vmem>>, vector<16xf32>,
        tpu.vector_store %arg10[%swap3A_65], %broadcast_in_dim3A_8 {strides = array<i32>} : memref<240xf32, #tpu.memory_space<vmem>>, vector<16xf32>,
        %swap3A_67 = arith.index_cast %mul3A_58 : i32 to index
        %swap3A_68 = tpu.vector_load %arg11[%swap3A_67] {strides = array<i32>} : memref<240xf32, #tpu.memory_space<vmem>>, vector<16xf32>,
        tpu.vector_store %arg11[%swap3A_67], %broadcast_in_dim3A_8 {strides = array<i32>} : memref<240xf32, #tpu.memory_space<vmem>>, vector<16xf32>,
        %swap3A_69 = arith.index_cast %mul3A_58 : i32 to index
        %swap3A_70 = tpu.vector_load %arg12[%swap3A_69] {strides = array<i32>} : memref<240xf32, #tpu.memory_space<vmem>>, vector<16xf32>,
        tpu.vector_store %arg12[%swap3A_69], %broadcast_in_dim3A_8 {strides = array<i32>} : memref<240xf32, #tpu.memory_space<vmem>>, vector<16xf32>,
        %swap3A_71 = arith.index_cast %mul3A_58 : i32 to index
        %swap3A_72 = tpu.vector_load %arg13[%swap3A_71] {strides = array<i32>} : memref<240xf32, #tpu.memory_space<vmem>>, vector<16xf32>,
        tpu.vector_store %arg13[%swap3A_71], %broadcast_in_dim3A_8 {strides = array<i32>} : memref<240xf32, #tpu.memory_space<vmem>>, vector<16xf32>,
        %swap3A_73 = arith.index_cast %mul3A_58 : i32 to index
        %swap3A_74 = tpu.vector_load %arg14[%swap3A_73] {strides = array<i32>} : memref<240xf32, #tpu.memory_space<vmem>>, vector<16xf32>,
        tpu.vector_store %arg14[%swap3A_73], %broadcast_in_dim3A_8 {strides = array<i32>} : memref<240xf32, #tpu.memory_space<vmem>>, vector<16xf32>,
      }
      %scan3A_13 = arith.constant 12 : i32
      %scan3A_14 = arith.constant 0 : i32
      %scan3A_15 = arith.constant 0 : i32
      %scan3A_16 = arith.constant 192 : i32
      %scan3A_17 = arith.addi %scan3A_15, %scan3A_16 : i32
      %scan3A_18 = arith.constant 1 : i32
      %scan3A_19 = scf.for %scan3A_56 = %scan3A_15 to %scan3A_17 step %scan3A_18 iter_args(%scan3A_57 = %scan3A_14) -> (i32)  : i32 {
        %mul3A_58 = arith.constant 16 : i32
        %mul3A_59 = arith.muli %scan3A_56, %mul3A_58 : i32
        %get3A_60 = arith.index_cast %mul3A_59 : i32 to index
        %get3A_61 = tpu.vector_load %arg4[%get3A_60] {strides = array<i32>} : memref<15440xf32, #tpu.memory_space<vmem>>, vector<16xf32>,
        %add3A_62 = arith.constant 3088 : i32
        %add3A_63 = arith.addi %add3A_62, %mul3A_59 : i32
        %get3A_64 = arith.index_cast %add3A_63 : i32 to index
        %get3A_65 = tpu.vector_load %arg4[%get3A_64] {strides = array<i32>} : memref<15440xf32, #tpu.memory_space<vmem>>, vector<16xf32>,
        %add3A_66 = arith.constant 12352 : i32
        %add3A_67 = arith.addi %add3A_66, %mul3A_59 : i32
        %get3A_68 = arith.index_cast %add3A_67 : i32 to index
        %get3A_69 = tpu.vector_load %arg4[%get3A_68] {strides = array<i32>} : memref<15440xf32, #tpu.memory_space<vmem>>, vector<16xf32>,
        %lt3A_70 = vector.broadcast %add3A_7 : f32 to vector<16xf32>
        %lt3A_71 = arith.cmpf olt, %get3A_61, %lt3A_70 : vector<16xf32>
        %gt3A = vector.broadcast %convert_element_type3A_5 : f32 to vector<16xf32>
        %gt3A_72 = arith.cmpf ogt, %get3A_65, %gt3A : vector<16xf32>
        %and3A = arith.andi %lt3A_71, %gt3A_72 : vector<16xi1>
        %gt3A_73 = arith.constant 0.000000e+00 : f32
        %gt3A_74 = vector.broadcast %gt3A_73 : f32 to vector<16xf32>
        %gt3A_75 = arith.cmpf ogt, %get3A_69, %gt3A_74 : vector<16xf32>
        %and3A_76 = arith.andi %and3A, %gt3A_75 : vector<16xi1>
        %convert_element_type3A_77 = arith.extui %and3A_76 : vector<16xi1> to vector<16xi32>
        %broadcast_in_dim3A_78 = arith.constant true
        %broadcast_in_dim3A_79 = vector.broadcast %broadcast_in_dim3A_78 : i1 to vector<16xi1>
        %masked_cumsum3A = tpu.scan <sum>, %convert_element_type3A_77 masked %broadcast_in_dim3A_79 : vector<16xi32>, vector<16xi1> -> vector<16xi32>
        %add3A_80 = vector.broadcast %scan3A_57 : i32 to vector<16xi32>
        %add3A_81 = arith.addi %add3A_80, %masked_cumsum3A : vector<16xi32>
        %sub3A = arith.subi %add3A_81, %convert_element_type3A_77 : vector<16xi32>
        %add3A_82 = vector.broadcast %mul3A_59 : i32 to vector<16xi32>
        %add3A_83 = arith.addi %add3A_82, %iota3A : vector<16xi32>
        tpu.vector_store_idx %arg5[%sub3A], %add3A_83 masked %and3A_76 : memref<3104xi32, #tpu.memory_space<vmem>>[vector<16xi32>], vector<16xi32>, vector<16xi1>
        %slice3A_84 = vector.extract_strided_slice %masked_cumsum3A {offsets = [15], sizes = [1], strides = [1]} : vector<16xi32> to vector<1xi32>
        %squeeze3A_85 = vector.extract %slice3A_84[0] : i32 from vector<1xi32>
        %add3A_86 = arith.addi %scan3A_57, %squeeze3A_85 : i32
        scf.yield %add3A_86 : i32
      }
      %scan3A_20 = arith.constant 192 : i32
      %broadcast_in_dim3A_21 = arith.constant 3072 : i32
      %broadcast_in_dim3A_22 = vector.broadcast %broadcast_in_dim3A_21 : i32 to vector<16xi32>
      %swap3A = arith.index_cast %scan3A_19 : i32 to index
      %swap3A_23 = tpu.vector_load %arg5[%swap3A] {strides = array<i32>} : memref<3104xi32, #tpu.memory_space<vmem>>, vector<16xi32>,
      tpu.vector_store %arg5[%swap3A], %broadcast_in_dim3A_22 {strides = array<i32>} : memref<3104xi32, #tpu.memory_space<vmem>>, vector<16xi32>,
      %min3A = arith.constant 4 : i32
      %min3A_24 = vector.broadcast %min3A : i32 to vector<16xi32>
      %min3A_25 = arith.minsi %iota3A, %min3A_24 : vector<16xi32>
      %mul3A_26 = arith.constant 3088 : i32
      %mul3A_27 = vector.broadcast %mul3A_26 : i32 to vector<16xi32>
      %mul3A_28 = arith.muli %min3A_25, %mul3A_27 : vector<16xi32>
      %get3A = arith.constant 0 : index
      %get3A_29 = tpu.vector_load %arg5[%get3A] {strides = array<i32>} : memref<3104xi32, #tpu.memory_space<vmem>>, vector<16xi32>,
      %slice3A = vector.extract_strided_slice %get3A_29 {offsets = [0], sizes = [1], strides = [1]} : vector<16xi32> to vector<1xi32>
      %squeeze3A = vector.extract %slice3A[0] : i32 from vector<1xi32>
      %add3A_30 = vector.broadcast %squeeze3A : i32 to vector<16xi32>
      %add3A_31 = arith.addi %mul3A_28, %add3A_30 : vector<16xi32>
      %gather3A = tpu.vector_load_idx %arg4[%add3A_31] : memref<15440xf32, #tpu.memory_space<vmem>>[vector<16xi32>], vector<16xf32>,
      %while3A = arith.constant 0 : i32
      %while3A_32 = arith.subi %scan3A_19, %while3A : i32
      %while3A_33 = arith.addi %while3A, %while3A_32 : i32
      %while3A_34 = arith.constant 1 : i32
      %while3A_35 = arith.divsi %while3A_32, %while3A_34 : i32
      %while3A_36 = arith.muli %while3A_35, %while3A_34 : i32
      %while3A_37 = arith.addi %while3A, %while3A_36 : i32
      %while3A_38 = arith.constant 1 : i32
      %while3A_39 = scf.for %while3A_56 = %while3A to %while3A_37 step %while3A_38 iter_args(%while3A_57 = %gather3A) -> (vector<16xf32>)  : i32 {
        %add3A_58 = arith.constant 1 : i32
        %add3A_59 = arith.addi %while3A_56, %add3A_58 : i32
        %get3A_60 = arith.index_cast %add3A_59 : i32 to index
        %get3A_61 = tpu.vector_load %arg5[%get3A_60] {strides = array<i32>} : memref<3104xi32, #tpu.memory_space<vmem>>, vector<16xi32>,
        %slice3A_62 = vector.extract_strided_slice %get3A_61 {offsets = [0], sizes = [1], strides = [1]} : vector<16xi32> to vector<1xi32>
        %squeeze3A_63 = vector.extract %slice3A_62[0] : i32 from vector<1xi32>
        %add3A_64 = vector.broadcast %squeeze3A_63 : i32 to vector<16xi32>
        %add3A_65 = arith.addi %mul3A_28, %add3A_64 : vector<16xi32>
        %gather3A_66 = tpu.vector_load_idx %arg4[%add3A_65] : memref<15440xf32, #tpu.memory_space<vmem>>[vector<16xi32>], vector<16xf32>,
        %slice3A_67 = vector.extract_strided_slice %while3A_57 {offsets = [0], sizes = [1], strides = [1]} : vector<16xf32> to vector<1xf32>
        %squeeze3A_68 = vector.extract %slice3A_67[0] : f32 from vector<1xf32>
        %slice3A_69 = vector.extract_strided_slice %while3A_57 {offsets = [1], sizes = [1], strides = [1]} : vector<16xf32> to vector<1xf32>
        %squeeze3A_70 = vector.extract %slice3A_69[0] : f32 from vector<1xf32>
        %slice3A_71 = vector.extract_strided_slice %while3A_57 {offsets = [2], sizes = [1], strides = [1]} : vector<16xf32> to vector<1xf32>
        %squeeze3A_72 = vector.extract %slice3A_71[0] : f32 from vector<1xf32>
        %slice3A_73 = vector.extract_strided_slice %while3A_57 {offsets = [3], sizes = [1], strides = [1]} : vector<16xf32> to vector<1xf32>
        %squeeze3A_74 = vector.extract %slice3A_73[0] : f32 from vector<1xf32>
        %slice3A_75 = vector.extract_strided_slice %while3A_57 {offsets = [4], sizes = [1], strides = [1]} : vector<16xf32> to vector<1xf32>
        %squeeze3A_76 = vector.extract %slice3A_75[0] : f32 from vector<1xf32>
        %max3A = arith.maximumf %squeeze3A_68, %convert_element_type3A_5 : f32
        %convert_element_type3A_77 = arith.fptosi %max3A : f32 to i32
        %sub3A = arith.subi %convert_element_type3A_77, %mul3A_4 : i32
        %min3A_78 = arith.minimumf %squeeze3A_70, %add3A_7 : f32
        %convert_element_type3A_79 = arith.fptosi %min3A_78 : f32 to i32
        %sub3A_80 = arith.subi %convert_element_type3A_79, %mul3A_4 : i32
        %convert_element_type3A_81 = arith.fptosi %squeeze3A_72 : f32 to i32
        %convert_element_type3A_82 = arith.fptosi %squeeze3A_74 : f32 to i32
        %sub3A_83 = arith.subi %convert_element_type3A_82, %convert_element_type3A_81 : i32
        %lt3A_84 = vector.broadcast %sub3A_83 : i32 to vector<16xi32>
        %lt3A_85 = arith.cmpi slt, %iota3A, %lt3A_84 : vector<16xi32>
        %sub3A_86 = arith.constant 16 : i32
        %sub3A_87 = arith.subi %sub3A_83, %sub3A_86 : i32
        %lt3A_88 = vector.broadcast %sub3A_87 : i32 to vector<16xi32>
        %lt3A_89 = arith.cmpi slt, %iota3A, %lt3A_88 : vector<16xi32>
        %broadcast_in_dim3A_90 = vector.broadcast %squeeze3A_76 : f32 to vector<16xf32>
        %le3A = arith.constant 0 : i32
        %le3A_91 = arith.cmpi sle, %sub3A, %le3A : i32
        %gt3A = arith.constant 0 : i32
        %gt3A_92 = arith.cmpi sgt, %sub3A_80, %gt3A : i32
        %and3A = arith.andi %le3A_91, %gt3A_92 : i1
        %jit3A = arith.constant 192 : i32
        %select_n3A = arith.select %and3A, %convert_element_type3A_81, %jit3A : i32
        %add3A_93 = vector.broadcast %select_n3A : i32 to vector<16xi32>
        %add3A_94 = arith.addi %add3A_93, %iota3A : vector<16xi32>
        %add3A_95 = arith.constant 16 : i32
        %add3A_96 = vector.broadcast %add3A_95 : i32 to vector<16xi32>
        %add3A_97 = arith.addi %add3A_94, %add3A_96 : vector<16xi32>
        %gather3A_98 = tpu.vector_load_idx %arg7[%add3A_94] : memref<240xf32, #tpu.memory_space<vmem>>[vector<16xi32>], vector<16xf32>,
        %gather3A_99 = tpu.vector_load_idx %arg7[%add3A_97] : memref<240xf32, #tpu.memory_space<vmem>>[vector<16xi32>], vector<16xf32>,
        %le3A_100 = arith.constant 1 : i32
        %le3A_101 = arith.cmpi sle, %sub3A, %le3A_100 : i32
        %gt3A_102 = arith.constant 1 : i32
        %gt3A_103 = arith.cmpi sgt, %sub3A_80, %gt3A_102 : i32
        %and3A_104 = arith.andi %le3A_101, %gt3A_103 : i1
        %jit3A_105 = arith.constant 192 : i32
        %select_n3A_106 = arith.select %and3A_104, %convert_element_type3A_81, %jit3A_105 : i32
        %add3A_107 = vector.broadcast %select_n3A_106 : i32 to vector<16xi32>
        %add3A_108 = arith.addi %add3A_107, %iota3A : vector<16xi32>
        %add3A_109 = arith.constant 16 : i32
        %add3A_110 = vector.broadcast %add3A_109 : i32 to vector<16xi32>
        %add3A_111 = arith.addi %add3A_108, %add3A_110 : vector<16xi32>
        %gather3A_112 = tpu.vector_load_idx %arg8[%add3A_108] : memref<240xf32, #tpu.memory_space<vmem>>[vector<16xi32>], vector<16xf32>,
        %gather3A_113 = tpu.vector_load_idx %arg8[%add3A_111] : memref<240xf32, #tpu.memory_space<vmem>>[vector<16xi32>], vector<16xf32>,
        %le3A_114 = arith.constant 2 : i32
        %le3A_115 = arith.cmpi sle, %sub3A, %le3A_114 : i32
        %gt3A_116 = arith.constant 2 : i32
        %gt3A_117 = arith.cmpi sgt, %sub3A_80, %gt3A_116 : i32
        %and3A_118 = arith.andi %le3A_115, %gt3A_117 : i1
        %jit3A_119 = arith.constant 192 : i32
        %select_n3A_120 = arith.select %and3A_118, %convert_element_type3A_81, %jit3A_119 : i32
        %add3A_121 = vector.broadcast %select_n3A_120 : i32 to vector<16xi32>
        %add3A_122 = arith.addi %add3A_121, %iota3A : vector<16xi32>
        %add3A_123 = arith.constant 16 : i32
        %add3A_124 = vector.broadcast %add3A_123 : i32 to vector<16xi32>
        %add3A_125 = arith.addi %add3A_122, %add3A_124 : vector<16xi32>
        %gather3A_126 = tpu.vector_load_idx %arg9[%add3A_122] : memref<240xf32, #tpu.memory_space<vmem>>[vector<16xi32>], vector<16xf32>,
        %gather3A_127 = tpu.vector_load_idx %arg9[%add3A_125] : memref<240xf32, #tpu.memory_space<vmem>>[vector<16xi32>], vector<16xf32>,
        %le3A_128 = arith.constant 3 : i32
        %le3A_129 = arith.cmpi sle, %sub3A, %le3A_128 : i32
        %gt3A_130 = arith.constant 3 : i32
        %gt3A_131 = arith.cmpi sgt, %sub3A_80, %gt3A_130 : i32
        %and3A_132 = arith.andi %le3A_129, %gt3A_131 : i1
        %jit3A_133 = arith.constant 192 : i32
        %select_n3A_134 = arith.select %and3A_132, %convert_element_type3A_81, %jit3A_133 : i32
        %add3A_135 = vector.broadcast %select_n3A_134 : i32 to vector<16xi32>
        %add3A_136 = arith.addi %add3A_135, %iota3A : vector<16xi32>
        %add3A_137 = arith.constant 16 : i32
        %add3A_138 = vector.broadcast %add3A_137 : i32 to vector<16xi32>
        %add3A_139 = arith.addi %add3A_136, %add3A_138 : vector<16xi32>
        %gather3A_140 = tpu.vector_load_idx %arg10[%add3A_136] : memref<240xf32, #tpu.memory_space<vmem>>[vector<16xi32>], vector<16xf32>,
        %gather3A_141 = tpu.vector_load_idx %arg10[%add3A_139] : memref<240xf32, #tpu.memory_space<vmem>>[vector<16xi32>], vector<16xf32>,
        %le3A_142 = arith.constant 4 : i32
        %le3A_143 = arith.cmpi sle, %sub3A, %le3A_142 : i32
        %gt3A_144 = arith.constant 4 : i32
        %gt3A_145 = arith.cmpi sgt, %sub3A_80, %gt3A_144 : i32
        %and3A_146 = arith.andi %le3A_143, %gt3A_145 : i1
        %jit3A_147 = arith.constant 192 : i32
        %select_n3A_148 = arith.select %and3A_146, %convert_element_type3A_81, %jit3A_147 : i32
        %add3A_149 = vector.broadcast %select_n3A_148 : i32 to vector<16xi32>
        %add3A_150 = arith.addi %add3A_149, %iota3A : vector<16xi32>
        %add3A_151 = arith.constant 16 : i32
        %add3A_152 = vector.broadcast %add3A_151 : i32 to vector<16xi32>
        %add3A_153 = arith.addi %add3A_150, %add3A_152 : vector<16xi32>
        %gather3A_154 = tpu.vector_load_idx %arg11[%add3A_150] : memref<240xf32, #tpu.memory_space<vmem>>[vector<16xi32>], vector<16xf32>,
        %gather3A_155 = tpu.vector_load_idx %arg11[%add3A_153] : memref<240xf32, #tpu.memory_space<vmem>>[vector<16xi32>], vector<16xf32>,
        %le3A_156 = arith.constant 5 : i32
        %le3A_157 = arith.cmpi sle, %sub3A, %le3A_156 : i32
        %gt3A_158 = arith.constant 5 : i32
        %gt3A_159 = arith.cmpi sgt, %sub3A_80, %gt3A_158 : i32
        %and3A_160 = arith.andi %le3A_157, %gt3A_159 : i1
        %jit3A_161 = arith.constant 192 : i32
        %select_n3A_162 = arith.select %and3A_160, %convert_element_type3A_81, %jit3A_161 : i32
        %add3A_163 = vector.broadcast %select_n3A_162 : i32 to vector<16xi32>
        %add3A_164 = arith.addi %add3A_163, %iota3A : vector<16xi32>
        %add3A_165 = arith.constant 16 : i32
        %add3A_166 = vector.broadcast %add3A_165 : i32 to vector<16xi32>
        %add3A_167 = arith.addi %add3A_164, %add3A_166 : vector<16xi32>
        %gather3A_168 = tpu.vector_load_idx %arg12[%add3A_164] : memref<240xf32, #tpu.memory_space<vmem>>[vector<16xi32>], vector<16xf32>,
        %gather3A_169 = tpu.vector_load_idx %arg12[%add3A_167] : memref<240xf32, #tpu.memory_space<vmem>>[vector<16xi32>], vector<16xf32>,
        %le3A_170 = arith.constant 6 : i32
        %le3A_171 = arith.cmpi sle, %sub3A, %le3A_170 : i32
        %gt3A_172 = arith.constant 6 : i32
        %gt3A_173 = arith.cmpi sgt, %sub3A_80, %gt3A_172 : i32
        %and3A_174 = arith.andi %le3A_171, %gt3A_173 : i1
        %jit3A_175 = arith.constant 192 : i32
        %select_n3A_176 = arith.select %and3A_174, %convert_element_type3A_81, %jit3A_175 : i32
        %add3A_177 = vector.broadcast %select_n3A_176 : i32 to vector<16xi32>
        %add3A_178 = arith.addi %add3A_177, %iota3A : vector<16xi32>
        %add3A_179 = arith.constant 16 : i32
        %add3A_180 = vector.broadcast %add3A_179 : i32 to vector<16xi32>
        %add3A_181 = arith.addi %add3A_178, %add3A_180 : vector<16xi32>
        %gather3A_182 = tpu.vector_load_idx %arg13[%add3A_178] : memref<240xf32, #tpu.memory_space<vmem>>[vector<16xi32>], vector<16xf32>,
        %gather3A_183 = tpu.vector_load_idx %arg13[%add3A_181] : memref<240xf32, #tpu.memory_space<vmem>>[vector<16xi32>], vector<16xf32>,
        %le3A_184 = arith.constant 7 : i32
        %le3A_185 = arith.cmpi sle, %sub3A, %le3A_184 : i32
        %gt3A_186 = arith.constant 7 : i32
        %gt3A_187 = arith.cmpi sgt, %sub3A_80, %gt3A_186 : i32
        %and3A_188 = arith.andi %le3A_185, %gt3A_187 : i1
        %jit3A_189 = arith.constant 192 : i32
        %select_n3A_190 = arith.select %and3A_188, %convert_element_type3A_81, %jit3A_189 : i32
        %add3A_191 = vector.broadcast %select_n3A_190 : i32 to vector<16xi32>
        %add3A_192 = arith.addi %add3A_191, %iota3A : vector<16xi32>
        %add3A_193 = arith.constant 16 : i32
        %add3A_194 = vector.broadcast %add3A_193 : i32 to vector<16xi32>
        %add3A_195 = arith.addi %add3A_192, %add3A_194 : vector<16xi32>
        %gather3A_196 = tpu.vector_load_idx %arg14[%add3A_192] : memref<240xf32, #tpu.memory_space<vmem>>[vector<16xi32>], vector<16xf32>,
        %gather3A_197 = tpu.vector_load_idx %arg14[%add3A_195] : memref<240xf32, #tpu.memory_space<vmem>>[vector<16xi32>], vector<16xf32>,
        %max3A_198 = arith.maximumf %gather3A_98, %broadcast_in_dim3A_90 : vector<16xf32>
        tpu.vector_store_idx %arg7[%add3A_94], %max3A_198 masked %lt3A_85 : memref<240xf32, #tpu.memory_space<vmem>>[vector<16xi32>], vector<16xf32>, vector<16xi1>
        %max3A_199 = arith.maximumf %gather3A_99, %broadcast_in_dim3A_90 : vector<16xf32>
        tpu.vector_store_idx %arg7[%add3A_97], %max3A_199 masked %lt3A_89 : memref<240xf32, #tpu.memory_space<vmem>>[vector<16xi32>], vector<16xf32>, vector<16xi1>
        %max3A_200 = arith.maximumf %gather3A_112, %broadcast_in_dim3A_90 : vector<16xf32>
        tpu.vector_store_idx %arg8[%add3A_108], %max3A_200 masked %lt3A_85 : memref<240xf32, #tpu.memory_space<vmem>>[vector<16xi32>], vector<16xf32>, vector<16xi1>
        %max3A_201 = arith.maximumf %gather3A_113, %broadcast_in_dim3A_90 : vector<16xf32>
        tpu.vector_store_idx %arg8[%add3A_111], %max3A_201 masked %lt3A_89 : memref<240xf32, #tpu.memory_space<vmem>>[vector<16xi32>], vector<16xf32>, vector<16xi1>
        %max3A_202 = arith.maximumf %gather3A_126, %broadcast_in_dim3A_90 : vector<16xf32>
        tpu.vector_store_idx %arg9[%add3A_122], %max3A_202 masked %lt3A_85 : memref<240xf32, #tpu.memory_space<vmem>>[vector<16xi32>], vector<16xf32>, vector<16xi1>
        %max3A_203 = arith.maximumf %gather3A_127, %broadcast_in_dim3A_90 : vector<16xf32>
        tpu.vector_store_idx %arg9[%add3A_125], %max3A_203 masked %lt3A_89 : memref<240xf32, #tpu.memory_space<vmem>>[vector<16xi32>], vector<16xf32>, vector<16xi1>
        %max3A_204 = arith.maximumf %gather3A_140, %broadcast_in_dim3A_90 : vector<16xf32>
        tpu.vector_store_idx %arg10[%add3A_136], %max3A_204 masked %lt3A_85 : memref<240xf32, #tpu.memory_space<vmem>>[vector<16xi32>], vector<16xf32>, vector<16xi1>
        %max3A_205 = arith.maximumf %gather3A_141, %broadcast_in_dim3A_90 : vector<16xf32>
        tpu.vector_store_idx %arg10[%add3A_139], %max3A_205 masked %lt3A_89 : memref<240xf32, #tpu.memory_space<vmem>>[vector<16xi32>], vector<16xf32>, vector<16xi1>
        %max3A_206 = arith.maximumf %gather3A_154, %broadcast_in_dim3A_90 : vector<16xf32>
        tpu.vector_store_idx %arg11[%add3A_150], %max3A_206 masked %lt3A_85 : memref<240xf32, #tpu.memory_space<vmem>>[vector<16xi32>], vector<16xf32>, vector<16xi1>
        %max3A_207 = arith.maximumf %gather3A_155, %broadcast_in_dim3A_90 : vector<16xf32>
        tpu.vector_store_idx %arg11[%add3A_153], %max3A_207 masked %lt3A_89 : memref<240xf32, #tpu.memory_space<vmem>>[vector<16xi32>], vector<16xf32>, vector<16xi1>
        %max3A_208 = arith.maximumf %gather3A_168, %broadcast_in_dim3A_90 : vector<16xf32>
        tpu.vector_store_idx %arg12[%add3A_164], %max3A_208 masked %lt3A_85 : memref<240xf32, #tpu.memory_space<vmem>>[vector<16xi32>], vector<16xf32>, vector<16xi1>
        %max3A_209 = arith.maximumf %gather3A_169, %broadcast_in_dim3A_90 : vector<16xf32>
        tpu.vector_store_idx %arg12[%add3A_167], %max3A_209 masked %lt3A_89 : memref<240xf32, #tpu.memory_space<vmem>>[vector<16xi32>], vector<16xf32>, vector<16xi1>
        %max3A_210 = arith.maximumf %gather3A_182, %broadcast_in_dim3A_90 : vector<16xf32>
        tpu.vector_store_idx %arg13[%add3A_178], %max3A_210 masked %lt3A_85 : memref<240xf32, #tpu.memory_space<vmem>>[vector<16xi32>], vector<16xf32>, vector<16xi1>
        %max3A_211 = arith.maximumf %gather3A_183, %broadcast_in_dim3A_90 : vector<16xf32>
        tpu.vector_store_idx %arg13[%add3A_181], %max3A_211 masked %lt3A_89 : memref<240xf32, #tpu.memory_space<vmem>>[vector<16xi32>], vector<16xf32>, vector<16xi1>
        %max3A_212 = arith.maximumf %gather3A_196, %broadcast_in_dim3A_90 : vector<16xf32>
        tpu.vector_store_idx %arg14[%add3A_192], %max3A_212 masked %lt3A_85 : memref<240xf32, #tpu.memory_space<vmem>>[vector<16xi32>], vector<16xf32>, vector<16xi1>
        %max3A_213 = arith.maximumf %gather3A_197, %broadcast_in_dim3A_90 : vector<16xf32>
        tpu.vector_store_idx %arg14[%add3A_195], %max3A_213 masked %lt3A_89 : memref<240xf32, #tpu.memory_space<vmem>>[vector<16xi32>], vector<16xf32>, vector<16xi1>
        scf.yield %gather3A_66 : vector<16xf32>
      }
      %while3A_40 = arith.constant 1 : i32
      %while3A_41 = scf.for %while3A_56 = %while3A_37 to %while3A_33 step %while3A_40 iter_args(%while3A_57 = %while3A_39) -> (vector<16xf32>)  : i32 {
        %add3A_58 = arith.constant 1 : i32
        %add3A_59 = arith.addi %while3A_56, %add3A_58 : i32
        %get3A_60 = arith.index_cast %add3A_59 : i32 to index
        %get3A_61 = tpu.vector_load %arg5[%get3A_60] {strides = array<i32>} : memref<3104xi32, #tpu.memory_space<vmem>>, vector<16xi32>,
        %slice3A_62 = vector.extract_strided_slice %get3A_61 {offsets = [0], sizes = [1], strides = [1]} : vector<16xi32> to vector<1xi32>
        %squeeze3A_63 = vector.extract %slice3A_62[0] : i32 from vector<1xi32>
        %add3A_64 = vector.broadcast %squeeze3A_63 : i32 to vector<16xi32>
        %add3A_65 = arith.addi %mul3A_28, %add3A_64 : vector<16xi32>
        %gather3A_66 = tpu.vector_load_idx %arg4[%add3A_65] : memref<15440xf32, #tpu.memory_space<vmem>>[vector<16xi32>], vector<16xf32>,
        %slice3A_67 = vector.extract_strided_slice %while3A_57 {offsets = [0], sizes = [1], strides = [1]} : vector<16xf32> to vector<1xf32>
        %squeeze3A_68 = vector.extract %slice3A_67[0] : f32 from vector<1xf32>
        %slice3A_69 = vector.extract_strided_slice %while3A_57 {offsets = [1], sizes = [1], strides = [1]} : vector<16xf32> to vector<1xf32>
        %squeeze3A_70 = vector.extract %slice3A_69[0] : f32 from vector<1xf32>
        %slice3A_71 = vector.extract_strided_slice %while3A_57 {offsets = [2], sizes = [1], strides = [1]} : vector<16xf32> to vector<1xf32>
        %squeeze3A_72 = vector.extract %slice3A_71[0] : f32 from vector<1xf32>
        %slice3A_73 = vector.extract_strided_slice %while3A_57 {offsets = [3], sizes = [1], strides = [1]} : vector<16xf32> to vector<1xf32>
        %squeeze3A_74 = vector.extract %slice3A_73[0] : f32 from vector<1xf32>
        %slice3A_75 = vector.extract_strided_slice %while3A_57 {offsets = [4], sizes = [1], strides = [1]} : vector<16xf32> to vector<1xf32>
        %squeeze3A_76 = vector.extract %slice3A_75[0] : f32 from vector<1xf32>
        %max3A = arith.maximumf %squeeze3A_68, %convert_element_type3A_5 : f32
        %convert_element_type3A_77 = arith.fptosi %max3A : f32 to i32
        %sub3A = arith.subi %convert_element_type3A_77, %mul3A_4 : i32
        %min3A_78 = arith.minimumf %squeeze3A_70, %add3A_7 : f32
        %convert_element_type3A_79 = arith.fptosi %min3A_78 : f32 to i32
        %sub3A_80 = arith.subi %convert_element_type3A_79, %mul3A_4 : i32
        %convert_element_type3A_81 = arith.fptosi %squeeze3A_72 : f32 to i32
        %convert_element_type3A_82 = arith.fptosi %squeeze3A_74 : f32 to i32
        %sub3A_83 = arith.subi %convert_element_type3A_82, %convert_element_type3A_81 : i32
        %lt3A_84 = vector.broadcast %sub3A_83 : i32 to vector<16xi32>
        %lt3A_85 = arith.cmpi slt, %iota3A, %lt3A_84 : vector<16xi32>
        %sub3A_86 = arith.constant 16 : i32
        %sub3A_87 = arith.subi %sub3A_83, %sub3A_86 : i32
        %lt3A_88 = vector.broadcast %sub3A_87 : i32 to vector<16xi32>
        %lt3A_89 = arith.cmpi slt, %iota3A, %lt3A_88 : vector<16xi32>
        %broadcast_in_dim3A_90 = vector.broadcast %squeeze3A_76 : f32 to vector<16xf32>
        %le3A = arith.constant 0 : i32
        %le3A_91 = arith.cmpi sle, %sub3A, %le3A : i32
        %gt3A = arith.constant 0 : i32
        %gt3A_92 = arith.cmpi sgt, %sub3A_80, %gt3A : i32
        %and3A = arith.andi %le3A_91, %gt3A_92 : i1
        %jit3A = arith.constant 192 : i32
        %select_n3A = arith.select %and3A, %convert_element_type3A_81, %jit3A : i32
        %add3A_93 = vector.broadcast %select_n3A : i32 to vector<16xi32>
        %add3A_94 = arith.addi %add3A_93, %iota3A : vector<16xi32>
        %add3A_95 = arith.constant 16 : i32
        %add3A_96 = vector.broadcast %add3A_95 : i32 to vector<16xi32>
        %add3A_97 = arith.addi %add3A_94, %add3A_96 : vector<16xi32>
        %gather3A_98 = tpu.vector_load_idx %arg7[%add3A_94] : memref<240xf32, #tpu.memory_space<vmem>>[vector<16xi32>], vector<16xf32>,
        %gather3A_99 = tpu.vector_load_idx %arg7[%add3A_97] : memref<240xf32, #tpu.memory_space<vmem>>[vector<16xi32>], vector<16xf32>,
        %le3A_100 = arith.constant 1 : i32
        %le3A_101 = arith.cmpi sle, %sub3A, %le3A_100 : i32
        %gt3A_102 = arith.constant 1 : i32
        %gt3A_103 = arith.cmpi sgt, %sub3A_80, %gt3A_102 : i32
        %and3A_104 = arith.andi %le3A_101, %gt3A_103 : i1
        %jit3A_105 = arith.constant 192 : i32
        %select_n3A_106 = arith.select %and3A_104, %convert_element_type3A_81, %jit3A_105 : i32
        %add3A_107 = vector.broadcast %select_n3A_106 : i32 to vector<16xi32>
        %add3A_108 = arith.addi %add3A_107, %iota3A : vector<16xi32>
        %add3A_109 = arith.constant 16 : i32
        %add3A_110 = vector.broadcast %add3A_109 : i32 to vector<16xi32>
        %add3A_111 = arith.addi %add3A_108, %add3A_110 : vector<16xi32>
        %gather3A_112 = tpu.vector_load_idx %arg8[%add3A_108] : memref<240xf32, #tpu.memory_space<vmem>>[vector<16xi32>], vector<16xf32>,
        %gather3A_113 = tpu.vector_load_idx %arg8[%add3A_111] : memref<240xf32, #tpu.memory_space<vmem>>[vector<16xi32>], vector<16xf32>,
        %le3A_114 = arith.constant 2 : i32
        %le3A_115 = arith.cmpi sle, %sub3A, %le3A_114 : i32
        %gt3A_116 = arith.constant 2 : i32
        %gt3A_117 = arith.cmpi sgt, %sub3A_80, %gt3A_116 : i32
        %and3A_118 = arith.andi %le3A_115, %gt3A_117 : i1
        %jit3A_119 = arith.constant 192 : i32
        %select_n3A_120 = arith.select %and3A_118, %convert_element_type3A_81, %jit3A_119 : i32
        %add3A_121 = vector.broadcast %select_n3A_120 : i32 to vector<16xi32>
        %add3A_122 = arith.addi %add3A_121, %iota3A : vector<16xi32>
        %add3A_123 = arith.constant 16 : i32
        %add3A_124 = vector.broadcast %add3A_123 : i32 to vector<16xi32>
        %add3A_125 = arith.addi %add3A_122, %add3A_124 : vector<16xi32>
        %gather3A_126 = tpu.vector_load_idx %arg9[%add3A_122] : memref<240xf32, #tpu.memory_space<vmem>>[vector<16xi32>], vector<16xf32>,
        %gather3A_127 = tpu.vector_load_idx %arg9[%add3A_125] : memref<240xf32, #tpu.memory_space<vmem>>[vector<16xi32>], vector<16xf32>,
        %le3A_128 = arith.constant 3 : i32
        %le3A_129 = arith.cmpi sle, %sub3A, %le3A_128 : i32
        %gt3A_130 = arith.constant 3 : i32
        %gt3A_131 = arith.cmpi sgt, %sub3A_80, %gt3A_130 : i32
        %and3A_132 = arith.andi %le3A_129, %gt3A_131 : i1
        %jit3A_133 = arith.constant 192 : i32
        %select_n3A_134 = arith.select %and3A_132, %convert_element_type3A_81, %jit3A_133 : i32
        %add3A_135 = vector.broadcast %select_n3A_134 : i32 to vector<16xi32>
        %add3A_136 = arith.addi %add3A_135, %iota3A : vector<16xi32>
        %add3A_137 = arith.constant 16 : i32
        %add3A_138 = vector.broadcast %add3A_137 : i32 to vector<16xi32>
        %add3A_139 = arith.addi %add3A_136, %add3A_138 : vector<16xi32>
        %gather3A_140 = tpu.vector_load_idx %arg10[%add3A_136] : memref<240xf32, #tpu.memory_space<vmem>>[vector<16xi32>], vector<16xf32>,
        %gather3A_141 = tpu.vector_load_idx %arg10[%add3A_139] : memref<240xf32, #tpu.memory_space<vmem>>[vector<16xi32>], vector<16xf32>,
        %le3A_142 = arith.constant 4 : i32
        %le3A_143 = arith.cmpi sle, %sub3A, %le3A_142 : i32
        %gt3A_144 = arith.constant 4 : i32
        %gt3A_145 = arith.cmpi sgt, %sub3A_80, %gt3A_144 : i32
        %and3A_146 = arith.andi %le3A_143, %gt3A_145 : i1
        %jit3A_147 = arith.constant 192 : i32
        %select_n3A_148 = arith.select %and3A_146, %convert_element_type3A_81, %jit3A_147 : i32
        %add3A_149 = vector.broadcast %select_n3A_148 : i32 to vector<16xi32>
        %add3A_150 = arith.addi %add3A_149, %iota3A : vector<16xi32>
        %add3A_151 = arith.constant 16 : i32
        %add3A_152 = vector.broadcast %add3A_151 : i32 to vector<16xi32>
        %add3A_153 = arith.addi %add3A_150, %add3A_152 : vector<16xi32>
        %gather3A_154 = tpu.vector_load_idx %arg11[%add3A_150] : memref<240xf32, #tpu.memory_space<vmem>>[vector<16xi32>], vector<16xf32>,
        %gather3A_155 = tpu.vector_load_idx %arg11[%add3A_153] : memref<240xf32, #tpu.memory_space<vmem>>[vector<16xi32>], vector<16xf32>,
        %le3A_156 = arith.constant 5 : i32
        %le3A_157 = arith.cmpi sle, %sub3A, %le3A_156 : i32
        %gt3A_158 = arith.constant 5 : i32
        %gt3A_159 = arith.cmpi sgt, %sub3A_80, %gt3A_158 : i32
        %and3A_160 = arith.andi %le3A_157, %gt3A_159 : i1
        %jit3A_161 = arith.constant 192 : i32
        %select_n3A_162 = arith.select %and3A_160, %convert_element_type3A_81, %jit3A_161 : i32
        %add3A_163 = vector.broadcast %select_n3A_162 : i32 to vector<16xi32>
        %add3A_164 = arith.addi %add3A_163, %iota3A : vector<16xi32>
        %add3A_165 = arith.constant 16 : i32
        %add3A_166 = vector.broadcast %add3A_165 : i32 to vector<16xi32>
        %add3A_167 = arith.addi %add3A_164, %add3A_166 : vector<16xi32>
        %gather3A_168 = tpu.vector_load_idx %arg12[%add3A_164] : memref<240xf32, #tpu.memory_space<vmem>>[vector<16xi32>], vector<16xf32>,
        %gather3A_169 = tpu.vector_load_idx %arg12[%add3A_167] : memref<240xf32, #tpu.memory_space<vmem>>[vector<16xi32>], vector<16xf32>,
        %le3A_170 = arith.constant 6 : i32
        %le3A_171 = arith.cmpi sle, %sub3A, %le3A_170 : i32
        %gt3A_172 = arith.constant 6 : i32
        %gt3A_173 = arith.cmpi sgt, %sub3A_80, %gt3A_172 : i32
        %and3A_174 = arith.andi %le3A_171, %gt3A_173 : i1
        %jit3A_175 = arith.constant 192 : i32
        %select_n3A_176 = arith.select %and3A_174, %convert_element_type3A_81, %jit3A_175 : i32
        %add3A_177 = vector.broadcast %select_n3A_176 : i32 to vector<16xi32>
        %add3A_178 = arith.addi %add3A_177, %iota3A : vector<16xi32>
        %add3A_179 = arith.constant 16 : i32
        %add3A_180 = vector.broadcast %add3A_179 : i32 to vector<16xi32>
        %add3A_181 = arith.addi %add3A_178, %add3A_180 : vector<16xi32>
        %gather3A_182 = tpu.vector_load_idx %arg13[%add3A_178] : memref<240xf32, #tpu.memory_space<vmem>>[vector<16xi32>], vector<16xf32>,
        %gather3A_183 = tpu.vector_load_idx %arg13[%add3A_181] : memref<240xf32, #tpu.memory_space<vmem>>[vector<16xi32>], vector<16xf32>,
        %le3A_184 = arith.constant 7 : i32
        %le3A_185 = arith.cmpi sle, %sub3A, %le3A_184 : i32
        %gt3A_186 = arith.constant 7 : i32
        %gt3A_187 = arith.cmpi sgt, %sub3A_80, %gt3A_186 : i32
        %and3A_188 = arith.andi %le3A_185, %gt3A_187 : i1
        %jit3A_189 = arith.constant 192 : i32
        %select_n3A_190 = arith.select %and3A_188, %convert_element_type3A_81, %jit3A_189 : i32
        %add3A_191 = vector.broadcast %select_n3A_190 : i32 to vector<16xi32>
        %add3A_192 = arith.addi %add3A_191, %iota3A : vector<16xi32>
        %add3A_193 = arith.constant 16 : i32
        %add3A_194 = vector.broadcast %add3A_193 : i32 to vector<16xi32>
        %add3A_195 = arith.addi %add3A_192, %add3A_194 : vector<16xi32>
        %gather3A_196 = tpu.vector_load_idx %arg14[%add3A_192] : memref<240xf32, #tpu.memory_space<vmem>>[vector<16xi32>], vector<16xf32>,
        %gather3A_197 = tpu.vector_load_idx %arg14[%add3A_195] : memref<240xf32, #tpu.memory_space<vmem>>[vector<16xi32>], vector<16xf32>,
        %max3A_198 = arith.maximumf %gather3A_98, %broadcast_in_dim3A_90 : vector<16xf32>
        tpu.vector_store_idx %arg7[%add3A_94], %max3A_198 masked %lt3A_85 : memref<240xf32, #tpu.memory_space<vmem>>[vector<16xi32>], vector<16xf32>, vector<16xi1>
        %max3A_199 = arith.maximumf %gather3A_99, %broadcast_in_dim3A_90 : vector<16xf32>
        tpu.vector_store_idx %arg7[%add3A_97], %max3A_199 masked %lt3A_89 : memref<240xf32, #tpu.memory_space<vmem>>[vector<16xi32>], vector<16xf32>, vector<16xi1>
        %max3A_200 = arith.maximumf %gather3A_112, %broadcast_in_dim3A_90 : vector<16xf32>
        tpu.vector_store_idx %arg8[%add3A_108], %max3A_200 masked %lt3A_85 : memref<240xf32, #tpu.memory_space<vmem>>[vector<16xi32>], vector<16xf32>, vector<16xi1>
        %max3A_201 = arith.maximumf %gather3A_113, %broadcast_in_dim3A_90 : vector<16xf32>
        tpu.vector_store_idx %arg8[%add3A_111], %max3A_201 masked %lt3A_89 : memref<240xf32, #tpu.memory_space<vmem>>[vector<16xi32>], vector<16xf32>, vector<16xi1>
        %max3A_202 = arith.maximumf %gather3A_126, %broadcast_in_dim3A_90 : vector<16xf32>
        tpu.vector_store_idx %arg9[%add3A_122], %max3A_202 masked %lt3A_85 : memref<240xf32, #tpu.memory_space<vmem>>[vector<16xi32>], vector<16xf32>, vector<16xi1>
        %max3A_203 = arith.maximumf %gather3A_127, %broadcast_in_dim3A_90 : vector<16xf32>
        tpu.vector_store_idx %arg9[%add3A_125], %max3A_203 masked %lt3A_89 : memref<240xf32, #tpu.memory_space<vmem>>[vector<16xi32>], vector<16xf32>, vector<16xi1>
        %max3A_204 = arith.maximumf %gather3A_140, %broadcast_in_dim3A_90 : vector<16xf32>
        tpu.vector_store_idx %arg10[%add3A_136], %max3A_204 masked %lt3A_85 : memref<240xf32, #tpu.memory_space<vmem>>[vector<16xi32>], vector<16xf32>, vector<16xi1>
        %max3A_205 = arith.maximumf %gather3A_141, %broadcast_in_dim3A_90 : vector<16xf32>
        tpu.vector_store_idx %arg10[%add3A_139], %max3A_205 masked %lt3A_89 : memref<240xf32, #tpu.memory_space<vmem>>[vector<16xi32>], vector<16xf32>, vector<16xi1>
        %max3A_206 = arith.maximumf %gather3A_154, %broadcast_in_dim3A_90 : vector<16xf32>
        tpu.vector_store_idx %arg11[%add3A_150], %max3A_206 masked %lt3A_85 : memref<240xf32, #tpu.memory_space<vmem>>[vector<16xi32>], vector<16xf32>, vector<16xi1>
        %max3A_207 = arith.maximumf %gather3A_155, %broadcast_in_dim3A_90 : vector<16xf32>
        tpu.vector_store_idx %arg11[%add3A_153], %max3A_207 masked %lt3A_89 : memref<240xf32, #tpu.memory_space<vmem>>[vector<16xi32>], vector<16xf32>, vector<16xi1>
        %max3A_208 = arith.maximumf %gather3A_168, %broadcast_in_dim3A_90 : vector<16xf32>
        tpu.vector_store_idx %arg12[%add3A_164], %max3A_208 masked %lt3A_85 : memref<240xf32, #tpu.memory_space<vmem>>[vector<16xi32>], vector<16xf32>, vector<16xi1>
        %max3A_209 = arith.maximumf %gather3A_169, %broadcast_in_dim3A_90 : vector<16xf32>
        tpu.vector_store_idx %arg12[%add3A_167], %max3A_209 masked %lt3A_89 : memref<240xf32, #tpu.memory_space<vmem>>[vector<16xi32>], vector<16xf32>, vector<16xi1>
        %max3A_210 = arith.maximumf %gather3A_182, %broadcast_in_dim3A_90 : vector<16xf32>
        tpu.vector_store_idx %arg13[%add3A_178], %max3A_210 masked %lt3A_85 : memref<240xf32, #tpu.memory_space<vmem>>[vector<16xi32>], vector<16xf32>, vector<16xi1>
        %max3A_211 = arith.maximumf %gather3A_183, %broadcast_in_dim3A_90 : vector<16xf32>
        tpu.vector_store_idx %arg13[%add3A_181], %max3A_211 masked %lt3A_89 : memref<240xf32, #tpu.memory_space<vmem>>[vector<16xi32>], vector<16xf32>, vector<16xi1>
        %max3A_212 = arith.maximumf %gather3A_196, %broadcast_in_dim3A_90 : vector<16xf32>
        tpu.vector_store_idx %arg14[%add3A_192], %max3A_212 masked %lt3A_85 : memref<240xf32, #tpu.memory_space<vmem>>[vector<16xi32>], vector<16xf32>, vector<16xi1>
        %max3A_213 = arith.maximumf %gather3A_197, %broadcast_in_dim3A_90 : vector<16xf32>
        tpu.vector_store_idx %arg14[%add3A_195], %max3A_213 masked %lt3A_89 : memref<240xf32, #tpu.memory_space<vmem>>[vector<16xi32>], vector<16xf32>, vector<16xi1>
        scf.yield %gather3A_66 : vector<16xf32>
      }
      %shift_right_arithmetic3A = arith.constant 1 : i32
      %shift_right_arithmetic3A_42 = vector.broadcast %shift_right_arithmetic3A : i32 to vector<16xi32>
      %shift_right_arithmetic3A_43 = arith.shrsi %iota3A, %shift_right_arithmetic3A_42 : vector<16xi32>
      %scan3A_44 = arith.constant 0 : i32
      %scan3A_45 = arith.constant 0 : i32
      %scan3A_46 = arith.constant 24 : i32
      %scan3A_47 = arith.addi %scan3A_45, %scan3A_46 : i32
      %scan3A_48 = arith.constant 1 : i32
      scf.for %scan3A_56 = %scan3A_45 to %scan3A_47 step %scan3A_48  : i32 {
        %mul3A_57 = arith.constant 8 : i32
        %mul3A_58 = arith.muli %mul3A_57, %scan3A_56 : i32
        %add3A_59 = vector.broadcast %mul3A_58 : i32 to vector<16xi32>
        %add3A_60 = arith.addi %add3A_59, %shift_right_arithmetic3A_43 : vector<16xi32>
        %gather3A_61 = tpu.vector_load_idx %arg7[%add3A_60] : memref<240xf32, #tpu.memory_space<vmem>>[vector<16xi32>], vector<16xf32>,
        %mul3A_62 = arith.constant 16 : i32
        %mul3A_63 = arith.muli %mul3A_62, %scan3A_56 : i32
        %add3A_64 = arith.constant 0 : i32
        %add3A_65 = arith.addi %add3A_64, %mul3A_63 : i32
        %swap3A_66 = arith.index_cast %add3A_65 : i32 to index
        %swap3A_67 = tpu.vector_load %arg6[%swap3A_66] {strides = array<i32>} : memref<6144xf32, #tpu.memory_space<vmem>>, vector<16xf32>,
        tpu.vector_store %arg6[%swap3A_66], %gather3A_61 {strides = array<i32>} : memref<6144xf32, #tpu.memory_space<vmem>>, vector<16xf32>,
        %mul3A_68 = arith.constant 16 : i32
        %mul3A_69 = arith.muli %mul3A_68, %scan3A_56 : i32
        %add3A_70 = arith.constant 384 : i32
        %add3A_71 = arith.addi %add3A_70, %mul3A_69 : i32
        %swap3A_72 = arith.index_cast %add3A_71 : i32 to index
        %swap3A_73 = tpu.vector_load %arg6[%swap3A_72] {strides = array<i32>} : memref<6144xf32, #tpu.memory_space<vmem>>, vector<16xf32>,
        tpu.vector_store %arg6[%swap3A_72], %gather3A_61 {strides = array<i32>} : memref<6144xf32, #tpu.memory_space<vmem>>, vector<16xf32>,
        %mul3A_74 = arith.constant 8 : i32
        %mul3A_75 = arith.muli %mul3A_74, %scan3A_56 : i32
        %add3A_76 = vector.broadcast %mul3A_75 : i32 to vector<16xi32>
        %add3A_77 = arith.addi %add3A_76, %shift_right_arithmetic3A_43 : vector<16xi32>
        %gather3A_78 = tpu.vector_load_idx %arg8[%add3A_77] : memref<240xf32, #tpu.memory_space<vmem>>[vector<16xi32>], vector<16xf32>,
        %mul3A_79 = arith.constant 16 : i32
        %mul3A_80 = arith.muli %mul3A_79, %scan3A_56 : i32
        %add3A_81 = arith.constant 768 : i32
        %add3A_82 = arith.addi %add3A_81, %mul3A_80 : i32
        %swap3A_83 = arith.index_cast %add3A_82 : i32 to index
        %swap3A_84 = tpu.vector_load %arg6[%swap3A_83] {strides = array<i32>} : memref<6144xf32, #tpu.memory_space<vmem>>, vector<16xf32>,
        tpu.vector_store %arg6[%swap3A_83], %gather3A_78 {strides = array<i32>} : memref<6144xf32, #tpu.memory_space<vmem>>, vector<16xf32>,
        %mul3A_85 = arith.constant 16 : i32
        %mul3A_86 = arith.muli %mul3A_85, %scan3A_56 : i32
        %add3A_87 = arith.constant 1152 : i32
        %add3A_88 = arith.addi %add3A_87, %mul3A_86 : i32
        %swap3A_89 = arith.index_cast %add3A_88 : i32 to index
        %swap3A_90 = tpu.vector_load %arg6[%swap3A_89] {strides = array<i32>} : memref<6144xf32, #tpu.memory_space<vmem>>, vector<16xf32>,
        tpu.vector_store %arg6[%swap3A_89], %gather3A_78 {strides = array<i32>} : memref<6144xf32, #tpu.memory_space<vmem>>, vector<16xf32>,
        %mul3A_91 = arith.constant 8 : i32
        %mul3A_92 = arith.muli %mul3A_91, %scan3A_56 : i32
        %add3A_93 = vector.broadcast %mul3A_92 : i32 to vector<16xi32>
        %add3A_94 = arith.addi %add3A_93, %shift_right_arithmetic3A_43 : vector<16xi32>
        %gather3A_95 = tpu.vector_load_idx %arg9[%add3A_94] : memref<240xf32, #tpu.memory_space<vmem>>[vector<16xi32>], vector<16xf32>,
        %mul3A_96 = arith.constant 16 : i32
        %mul3A_97 = arith.muli %mul3A_96, %scan3A_56 : i32
        %add3A_98 = arith.constant 1536 : i32
        %add3A_99 = arith.addi %add3A_98, %mul3A_97 : i32
        %swap3A_100 = arith.index_cast %add3A_99 : i32 to index
        %swap3A_101 = tpu.vector_load %arg6[%swap3A_100] {strides = array<i32>} : memref<6144xf32, #tpu.memory_space<vmem>>, vector<16xf32>,
        tpu.vector_store %arg6[%swap3A_100], %gather3A_95 {strides = array<i32>} : memref<6144xf32, #tpu.memory_space<vmem>>, vector<16xf32>,
        %mul3A_102 = arith.constant 16 : i32
        %mul3A_103 = arith.muli %mul3A_102, %scan3A_56 : i32
        %add3A_104 = arith.constant 1920 : i32
        %add3A_105 = arith.addi %add3A_104, %mul3A_103 : i32
        %swap3A_106 = arith.index_cast %add3A_105 : i32 to index
        %swap3A_107 = tpu.vector_load %arg6[%swap3A_106] {strides = array<i32>} : memref<6144xf32, #tpu.memory_space<vmem>>, vector<16xf32>,
        tpu.vector_store %arg6[%swap3A_106], %gather3A_95 {strides = array<i32>} : memref<6144xf32, #tpu.memory_space<vmem>>, vector<16xf32>,
        %mul3A_108 = arith.constant 8 : i32
        %mul3A_109 = arith.muli %mul3A_108, %scan3A_56 : i32
        %add3A_110 = vector.broadcast %mul3A_109 : i32 to vector<16xi32>
        %add3A_111 = arith.addi %add3A_110, %shift_right_arithmetic3A_43 : vector<16xi32>
        %gather3A_112 = tpu.vector_load_idx %arg10[%add3A_111] : memref<240xf32, #tpu.memory_space<vmem>>[vector<16xi32>], vector<16xf32>,
        %mul3A_113 = arith.constant 16 : i32
        %mul3A_114 = arith.muli %mul3A_113, %scan3A_56 : i32
        %add3A_115 = arith.constant 2304 : i32
        %add3A_116 = arith.addi %add3A_115, %mul3A_114 : i32
        %swap3A_117 = arith.index_cast %add3A_116 : i32 to index
        %swap3A_118 = tpu.vector_load %arg6[%swap3A_117] {strides = array<i32>} : memref<6144xf32, #tpu.memory_space<vmem>>, vector<16xf32>,
        tpu.vector_store %arg6[%swap3A_117], %gather3A_112 {strides = array<i32>} : memref<6144xf32, #tpu.memory_space<vmem>>, vector<16xf32>,
        %mul3A_119 = arith.constant 16 : i32
        %mul3A_120 = arith.muli %mul3A_119, %scan3A_56 : i32
        %add3A_121 = arith.constant 2688 : i32
        %add3A_122 = arith.addi %add3A_121, %mul3A_120 : i32
        %swap3A_123 = arith.index_cast %add3A_122 : i32 to index
        %swap3A_124 = tpu.vector_load %arg6[%swap3A_123] {strides = array<i32>} : memref<6144xf32, #tpu.memory_space<vmem>>, vector<16xf32>,
        tpu.vector_store %arg6[%swap3A_123], %gather3A_112 {strides = array<i32>} : memref<6144xf32, #tpu.memory_space<vmem>>, vector<16xf32>,
        %mul3A_125 = arith.constant 8 : i32
        %mul3A_126 = arith.muli %mul3A_125, %scan3A_56 : i32
        %add3A_127 = vector.broadcast %mul3A_126 : i32 to vector<16xi32>
        %add3A_128 = arith.addi %add3A_127, %shift_right_arithmetic3A_43 : vector<16xi32>
        %gather3A_129 = tpu.vector_load_idx %arg11[%add3A_128] : memref<240xf32, #tpu.memory_space<vmem>>[vector<16xi32>], vector<16xf32>,
        %mul3A_130 = arith.constant 16 : i32
        %mul3A_131 = arith.muli %mul3A_130, %scan3A_56 : i32
        %add3A_132 = arith.constant 3072 : i32
        %add3A_133 = arith.addi %add3A_132, %mul3A_131 : i32
        %swap3A_134 = arith.index_cast %add3A_133 : i32 to index
        %swap3A_135 = tpu.vector_load %arg6[%swap3A_134] {strides = array<i32>} : memref<6144xf32, #tpu.memory_space<vmem>>, vector<16xf32>,
        tpu.vector_store %arg6[%swap3A_134], %gather3A_129 {strides = array<i32>} : memref<6144xf32, #tpu.memory_space<vmem>>, vector<16xf32>,
        %mul3A_136 = arith.constant 16 : i32
        %mul3A_137 = arith.muli %mul3A_136, %scan3A_56 : i32
        %add3A_138 = arith.constant 3456 : i32
        %add3A_139 = arith.addi %add3A_138, %mul3A_137 : i32
        %swap3A_140 = arith.index_cast %add3A_139 : i32 to index
        %swap3A_141 = tpu.vector_load %arg6[%swap3A_140] {strides = array<i32>} : memref<6144xf32, #tpu.memory_space<vmem>>, vector<16xf32>,
        tpu.vector_store %arg6[%swap3A_140], %gather3A_129 {strides = array<i32>} : memref<6144xf32, #tpu.memory_space<vmem>>, vector<16xf32>,
        %mul3A_142 = arith.constant 8 : i32
        %mul3A_143 = arith.muli %mul3A_142, %scan3A_56 : i32
        %add3A_144 = vector.broadcast %mul3A_143 : i32 to vector<16xi32>
        %add3A_145 = arith.addi %add3A_144, %shift_right_arithmetic3A_43 : vector<16xi32>
        %gather3A_146 = tpu.vector_load_idx %arg12[%add3A_145] : memref<240xf32, #tpu.memory_space<vmem>>[vector<16xi32>], vector<16xf32>,
        %mul3A_147 = arith.constant 16 : i32
        %mul3A_148 = arith.muli %mul3A_147, %scan3A_56 : i32
        %add3A_149 = arith.constant 3840 : i32
        %add3A_150 = arith.addi %add3A_149, %mul3A_148 : i32
        %swap3A_151 = arith.index_cast %add3A_150 : i32 to index
        %swap3A_152 = tpu.vector_load %arg6[%swap3A_151] {strides = array<i32>} : memref<6144xf32, #tpu.memory_space<vmem>>, vector<16xf32>,
        tpu.vector_store %arg6[%swap3A_151], %gather3A_146 {strides = array<i32>} : memref<6144xf32, #tpu.memory_space<vmem>>, vector<16xf32>,
        %mul3A_153 = arith.constant 16 : i32
        %mul3A_154 = arith.muli %mul3A_153, %scan3A_56 : i32
        %add3A_155 = arith.constant 4224 : i32
        %add3A_156 = arith.addi %add3A_155, %mul3A_154 : i32
        %swap3A_157 = arith.index_cast %add3A_156 : i32 to index
        %swap3A_158 = tpu.vector_load %arg6[%swap3A_157] {strides = array<i32>} : memref<6144xf32, #tpu.memory_space<vmem>>, vector<16xf32>,
        tpu.vector_store %arg6[%swap3A_157], %gather3A_146 {strides = array<i32>} : memref<6144xf32, #tpu.memory_space<vmem>>, vector<16xf32>,
        %mul3A_159 = arith.constant 8 : i32
        %mul3A_160 = arith.muli %mul3A_159, %scan3A_56 : i32
        %add3A_161 = vector.broadcast %mul3A_160 : i32 to vector<16xi32>
        %add3A_162 = arith.addi %add3A_161, %shift_right_arithmetic3A_43 : vector<16xi32>
        %gather3A_163 = tpu.vector_load_idx %arg13[%add3A_162] : memref<240xf32, #tpu.memory_space<vmem>>[vector<16xi32>], vector<16xf32>,
        %mul3A_164 = arith.constant 16 : i32
        %mul3A_165 = arith.muli %mul3A_164, %scan3A_56 : i32
        %add3A_166 = arith.constant 4608 : i32
        %add3A_167 = arith.addi %add3A_166, %mul3A_165 : i32
        %swap3A_168 = arith.index_cast %add3A_167 : i32 to index
        %swap3A_169 = tpu.vector_load %arg6[%swap3A_168] {strides = array<i32>} : memref<6144xf32, #tpu.memory_space<vmem>>, vector<16xf32>,
        tpu.vector_store %arg6[%swap3A_168], %gather3A_163 {strides = array<i32>} : memref<6144xf32, #tpu.memory_space<vmem>>, vector<16xf32>,
        %mul3A_170 = arith.constant 16 : i32
        %mul3A_171 = arith.muli %mul3A_170, %scan3A_56 : i32
        %add3A_172 = arith.constant 4992 : i32
        %add3A_173 = arith.addi %add3A_172, %mul3A_171 : i32
        %swap3A_174 = arith.index_cast %add3A_173 : i32 to index
        %swap3A_175 = tpu.vector_load %arg6[%swap3A_174] {strides = array<i32>} : memref<6144xf32, #tpu.memory_space<vmem>>, vector<16xf32>,
        tpu.vector_store %arg6[%swap3A_174], %gather3A_163 {strides = array<i32>} : memref<6144xf32, #tpu.memory_space<vmem>>, vector<16xf32>,
        %mul3A_176 = arith.constant 8 : i32
        %mul3A_177 = arith.muli %mul3A_176, %scan3A_56 : i32
        %add3A_178 = vector.broadcast %mul3A_177 : i32 to vector<16xi32>
        %add3A_179 = arith.addi %add3A_178, %shift_right_arithmetic3A_43 : vector<16xi32>
        %gather3A_180 = tpu.vector_load_idx %arg14[%add3A_179] : memref<240xf32, #tpu.memory_space<vmem>>[vector<16xi32>], vector<16xf32>,
        %mul3A_181 = arith.constant 16 : i32
        %mul3A_182 = arith.muli %mul3A_181, %scan3A_56 : i32
        %add3A_183 = arith.constant 5376 : i32
        %add3A_184 = arith.addi %add3A_183, %mul3A_182 : i32
        %swap3A_185 = arith.index_cast %add3A_184 : i32 to index
        %swap3A_186 = tpu.vector_load %arg6[%swap3A_185] {strides = array<i32>} : memref<6144xf32, #tpu.memory_space<vmem>>, vector<16xf32>,
        tpu.vector_store %arg6[%swap3A_185], %gather3A_180 {strides = array<i32>} : memref<6144xf32, #tpu.memory_space<vmem>>, vector<16xf32>,
        %mul3A_187 = arith.constant 16 : i32
        %mul3A_188 = arith.muli %mul3A_187, %scan3A_56 : i32
        %add3A_189 = arith.constant 5760 : i32
        %add3A_190 = arith.addi %add3A_189, %mul3A_188 : i32
        %swap3A_191 = arith.index_cast %add3A_190 : i32 to index
        %swap3A_192 = tpu.vector_load %arg6[%swap3A_191] {strides = array<i32>} : memref<6144xf32, #tpu.memory_space<vmem>>, vector<16xf32>,
        tpu.vector_store %arg6[%swap3A_191], %gather3A_180 {strides = array<i32>} : memref<6144xf32, #tpu.memory_space<vmem>>, vector<16xf32>,
      }
      %scan3A_49 = arith.constant 24 : i32
      %mul3A_50 = arith.constant 2 : i32
      %mul3A_51 = arith.muli %add3A, %mul3A_50 : i32
      %mul3A_52 = arith.constant 8 : i32
      %mul3A_53 = arith.muli %mul3A_51, %mul3A_52 : i32
      %mul3A_54 = arith.constant 384 : i32
      %mul3A_55 = arith.muli %mul3A_53, %mul3A_54 : i32
      "tpu.region"() ({
        %run_scoped3A = tpu.sem_alloc : memref<!tpu.dma_semaphore, #tpu.memory_space<semaphore_mem>>
        %dma_start3A = tpu.memref_slice %arg3[%mul3A_55] : memref<147456xf32, #tpu.memory_space<hbm>> -> memref<6144xf32, #tpu.memory_space<hbm>>
        %dma_start3A_56 = tpu.memref_slice %arg3[%mul3A_55] : memref<147456xf32, #tpu.memory_space<hbm>> -> memref<6144xf32, #tpu.memory_space<hbm>>
        tpu.enqueue_dma source(%arg6 : memref<6144xf32, #tpu.memory_space<vmem>>) target(%dma_start3A_56 : memref<6144xf32, #tpu.memory_space<hbm>>) target_semaphore(%run_scoped3A : memref<!tpu.dma_semaphore, #tpu.memory_space<semaphore_mem>>)
        %dma_wait3A = tpu.memref_slice %arg3[%mul3A_55] : memref<147456xf32, #tpu.memory_space<hbm>> -> memref<6144xf32, #tpu.memory_space<hbm>>
        %dma_wait3A_57 = tpu.memref_slice %arg3[%mul3A_55] : memref<147456xf32, #tpu.memory_space<hbm>> -> memref<6144xf32, #tpu.memory_space<hbm>>
        tpu.wait_dma2 semaphore(%run_scoped3A : memref<!tpu.dma_semaphore, #tpu.memory_space<semaphore_mem>>) src(%arg6 : memref<6144xf32, #tpu.memory_space<vmem>>) dst(%dma_wait3A_57 : memref<6144xf32, #tpu.memory_space<hbm>>)
        tpu.yield
      }) : () -> ()
    } else {
    }
    return
  }
}

module attributes {stable_mosaic.version = 14 : i64} {
  func.func @_match_body(%arg0: i32, %arg1: memref<256x4xf32, #tpu.memory_space<vmem>>, %arg2: memref<4x1024xf32, #tpu.memory_space<vmem>>, %arg3: memref<256x1xf32, #tpu.memory_space<vmem>>, %arg4: memref<1x1024xf32, #tpu.memory_space<vmem>>, %arg5: memref<256x1xf32, #tpu.memory_space<vmem>>, %arg6: memref<256x1xf32, #tpu.memory_space<vmem>>, %arg7: memref<256x4xf32, #tpu.memory_space<vmem>>, %arg8: memref<1x1024xf32, #tpu.memory_space<vmem>>, %arg9: memref<1x1024xf32, #tpu.memory_space<vmem>>) attributes {dimension_semantics = [#tpu.dimension_semantics<arbitrary>], iteration_bounds = array<i64: 4>, scalar_prefetch = 0 : i64, scratch_operands = 1 : i64, tpu.core_type = #tpu.core_type<tc>, window_params = [{transform_indices = @transform_0, window_bounds = array<i64: 256, 4>}, {pipeline_mode = #tpu.pipeline_mode<synchronous>, transform_indices = @transform_1, window_bounds = array<i64: 4, 1024>}, {transform_indices = @transform_2, window_bounds = array<i64: 256, 1>}, {pipeline_mode = #tpu.pipeline_mode<synchronous>, transform_indices = @transform_3, window_bounds = array<i64: 1, 1024>}, {transform_indices = @transform_4, window_bounds = array<i64: 256, 1>}, {transform_indices = @transform_5, window_bounds = array<i64: 256, 1>}, {transform_indices = @transform_6, window_bounds = array<i64: 256, 4>}, {pipeline_mode = #tpu.pipeline_mode<synchronous>, transform_indices = @transform_7, window_bounds = array<i64: 1, 1024>}]} {
    %get3A = arith.constant 0 : index
    %get3A_0 = arith.constant 0 : index
    %get3A_1 = vector.load %arg1[%get3A, %get3A_0] : memref<256x4xf32, #tpu.memory_space<vmem>>, vector<256x4xf32>
    %slice3A = vector.extract_strided_slice %get3A_1 {offsets = [0, 0], sizes = [256, 1], strides = [1, 1]} : vector<256x4xf32> to vector<256x1xf32>
    %slice3A_2 = vector.extract_strided_slice %get3A_1 {offsets = [0, 1], sizes = [256, 1], strides = [1, 1]} : vector<256x4xf32> to vector<256x1xf32>
    %slice3A_3 = vector.extract_strided_slice %get3A_1 {offsets = [0, 2], sizes = [256, 1], strides = [1, 1]} : vector<256x4xf32> to vector<256x1xf32>
    %slice3A_4 = vector.extract_strided_slice %get3A_1 {offsets = [0, 3], sizes = [256, 1], strides = [1, 1]} : vector<256x4xf32> to vector<256x1xf32>
    %get3A_5 = arith.constant 0 : index
    %get3A_6 = arith.constant 0 : index
    %get3A_7 = vector.load %arg2[%get3A_5, %get3A_6] : memref<4x1024xf32, #tpu.memory_space<vmem>>, vector<1x1024xf32>
    %get3A_8 = arith.constant 1 : index
    %get3A_9 = arith.constant 0 : index
    %get3A_10 = vector.load %arg2[%get3A_8, %get3A_9] : memref<4x1024xf32, #tpu.memory_space<vmem>>, vector<1x1024xf32>
    %get3A_11 = arith.constant 2 : index
    %get3A_12 = arith.constant 0 : index
    %get3A_13 = vector.load %arg2[%get3A_11, %get3A_12] : memref<4x1024xf32, #tpu.memory_space<vmem>>, vector<1x1024xf32>
    %get3A_14 = arith.constant 3 : index
    %get3A_15 = arith.constant 0 : index
    %get3A_16 = vector.load %arg2[%get3A_14, %get3A_15] : memref<4x1024xf32, #tpu.memory_space<vmem>>, vector<1x1024xf32>
    %max3A = vector.broadcast %slice3A : vector<256x1xf32> to vector<256x1024xf32>
    %max3A_17 = vector.broadcast %get3A_7 : vector<1x1024xf32> to vector<256x1024xf32>
    %max3A_18 = arith.maximumf %max3A, %max3A_17 : vector<256x1024xf32>
    %max3A_19 = vector.broadcast %slice3A_2 : vector<256x1xf32> to vector<256x1024xf32>
    %max3A_20 = vector.broadcast %get3A_10 : vector<1x1024xf32> to vector<256x1024xf32>
    %max3A_21 = arith.maximumf %max3A_19, %max3A_20 : vector<256x1024xf32>
    %min3A = vector.broadcast %slice3A_3 : vector<256x1xf32> to vector<256x1024xf32>
    %min3A_22 = vector.broadcast %get3A_13 : vector<1x1024xf32> to vector<256x1024xf32>
    %min3A_23 = arith.minimumf %min3A, %min3A_22 : vector<256x1024xf32>
    %min3A_24 = vector.broadcast %slice3A_4 : vector<256x1xf32> to vector<256x1024xf32>
    %min3A_25 = vector.broadcast %get3A_16 : vector<1x1024xf32> to vector<256x1024xf32>
    %min3A_26 = arith.minimumf %min3A_24, %min3A_25 : vector<256x1024xf32>
    %sub3A = arith.subf %min3A_23, %max3A_18 : vector<256x1024xf32>
    %sub3A_27 = arith.subf %min3A_26, %max3A_21 : vector<256x1024xf32>
    %mul3A = arith.mulf %sub3A, %sub3A_27 : vector<256x1024xf32>
    %ge3A = arith.cmpf oge, %min3A_23, %max3A_18 : vector<256x1024xf32>
    %ge3A_28 = arith.cmpf oge, %min3A_26, %max3A_21 : vector<256x1024xf32>
    %and3A = arith.andi %ge3A, %ge3A_28 : vector<256x1024xi1>
    %jit3A = arith.constant 0.000000e+00 : f32
    %broadcast_in_dim3A = vector.broadcast %jit3A : f32 to vector<256x1024xf32>
    %select_n3A = arith.select %and3A, %mul3A, %broadcast_in_dim3A : vector<256x1024xi1>, vector<256x1024xf32>
    %sub3A_29 = arith.subf %slice3A_3, %slice3A : vector<256x1xf32>
    %sub3A_30 = arith.subf %slice3A_4, %slice3A_2 : vector<256x1xf32>
    %mul3A_31 = arith.mulf %sub3A_29, %sub3A_30 : vector<256x1xf32>
    %sub3A_32 = arith.subf %get3A_13, %get3A_7 : vector<1x1024xf32>
    %sub3A_33 = arith.subf %get3A_16, %get3A_10 : vector<1x1024xf32>
    %mul3A_34 = arith.mulf %sub3A_32, %sub3A_33 : vector<1x1024xf32>
    %add3A = vector.broadcast %mul3A_31 : vector<256x1xf32> to vector<256x1024xf32>
    %add3A_35 = vector.broadcast %mul3A_34 : vector<1x1024xf32> to vector<256x1024xf32>
    %add3A_36 = arith.addf %add3A, %add3A_35 : vector<256x1024xf32>
    %sub3A_37 = arith.subf %add3A_36, %select_n3A : vector<256x1024xf32>
    %div3A = arith.divf %select_n3A, %sub3A_37 : vector<256x1024xf32>
    %reduce_max3A = arith.constant dense<0xFF800000> : vector<256xf32>
    %reduce_max3A_38 = vector.multi_reduction <maximumf>, %div3A, %reduce_max3A [1] : vector<256x1024xf32> to vector<256xf32>
    %broadcast_in_dim3A_39 = vector.shape_cast %reduce_max3A_38 : vector<256xf32> to vector<256x1xf32>
    %iota3A = tpu.iota {dimensions = array<i32: 1>} : vector<256x1024xi32>
    %eq3A = vector.broadcast %broadcast_in_dim3A_39 : vector<256x1xf32> to vector<256x1024xf32>
    %eq3A_40 = arith.cmpf oeq, %div3A, %eq3A : vector<256x1024xf32>
    %jit3A_41 = arith.constant 1073741824 : i32
    %broadcast_in_dim3A_42 = vector.broadcast %jit3A_41 : i32 to vector<256x1024xi32>
    %select_n3A_43 = arith.select %eq3A_40, %iota3A, %broadcast_in_dim3A_42 : vector<256x1024xi1>, vector<256x1024xi32>
    %reduce_min3A = arith.constant dense<2147483647> : vector<256xi32>
    %reduce_min3A_44 = vector.multi_reduction <minsi>, %select_n3A_43, %reduce_min3A [1] : vector<256x1024xi32> to vector<256xi32>
    %broadcast_in_dim3A_45 = vector.shape_cast %reduce_min3A_44 : vector<256xi32> to vector<256x1xi32>
    %gt3A = arith.constant 0.000000e+00 : f32
    %gt3A_46 = vector.broadcast %gt3A : f32 to vector<256x1xf32>
    %gt3A_47 = arith.cmpf ogt, %broadcast_in_dim3A_39, %gt3A_46 : vector<256x1xf32>
    %sub3A_48 = arith.constant 1.000000e+00 : f32
    %sub3A_49 = vector.broadcast %sub3A_48 : f32 to vector<256x1xf32>
    %sub3A_50 = arith.subf %sub3A_49, %broadcast_in_dim3A_39 : vector<256x1xf32>
    %get3A_51 = arith.constant 0 : index
    %get3A_52 = arith.constant 0 : index
    %get3A_53 = vector.load %arg3[%get3A_51, %get3A_52] : memref<256x1xf32, #tpu.memory_space<vmem>>, vector<256x1xf32>
    %mul3A_54 = arith.mulf %sub3A_50, %get3A_53 : vector<256x1xf32>
    %swap3A = arith.constant 0 : index
    %swap3A_55 = arith.constant 0 : index
    %swap3A_56 = vector.load %arg5[%swap3A, %swap3A_55] : memref<256x1xf32, #tpu.memory_space<vmem>>, vector<256x1xf32>
    tpu.vector_store %arg5[%swap3A, %swap3A_55], %mul3A_54 {strides = array<i32>} : memref<256x1xf32, #tpu.memory_space<vmem>>, vector<256x1xf32>,
    %eq3A_57 = vector.broadcast %broadcast_in_dim3A_45 : vector<256x1xi32> to vector<256x1024xi32>
    %eq3A_58 = arith.cmpi eq, %iota3A, %eq3A_57 : vector<256x1024xi32>
    %get3A_59 = arith.constant 0 : index
    %get3A_60 = arith.constant 0 : index
    %get3A_61 = vector.load %arg4[%get3A_59, %get3A_60] : memref<1x1024xf32, #tpu.memory_space<vmem>>, vector<1x1024xf32>
    %jit3A_62 = arith.constant 0.000000e+00 : f32
    %broadcast_in_dim3A_63 = vector.shape_cast %get3A_61 : vector<1x1024xf32> to vector<1x1024xf32>
    %broadcast_in_dim3A_64 = vector.broadcast %broadcast_in_dim3A_63 : vector<1x1024xf32> to vector<256x1024xf32>
    %broadcast_in_dim3A_65 = vector.broadcast %jit3A_62 : f32 to vector<256x1024xf32>
    %select_n3A_66 = arith.select %eq3A_58, %broadcast_in_dim3A_64, %broadcast_in_dim3A_65 : vector<256x1024xi1>, vector<256x1024xf32>
    %reduce_sum3A = arith.constant dense<0.000000e+00> : vector<256xf32>
    %reduce_sum3A_67 = vector.multi_reduction <add>, %select_n3A_66, %reduce_sum3A [1] : vector<256x1024xf32> to vector<256xf32>
    %broadcast_in_dim3A_68 = vector.shape_cast %reduce_sum3A_67 : vector<256xf32> to vector<256x1xf32>
    %mul3A_69 = arith.mulf %sub3A_50, %broadcast_in_dim3A_68 : vector<256x1xf32>
    %jit3A_70 = arith.constant 0.000000e+00 : f32
    %broadcast_in_dim3A_71 = vector.broadcast %jit3A_70 : f32 to vector<256x1xf32>
    %select_n3A_72 = arith.select %gt3A_47, %mul3A_69, %broadcast_in_dim3A_71 : vector<256x1xi1>, vector<256x1xf32>
    %swap3A_73 = arith.constant 0 : index
    %swap3A_74 = arith.constant 0 : index
    %swap3A_75 = vector.load %arg6[%swap3A_73, %swap3A_74] : memref<256x1xf32, #tpu.memory_space<vmem>>, vector<256x1xf32>
    tpu.vector_store %arg6[%swap3A_73, %swap3A_74], %select_n3A_72 {strides = array<i32>} : memref<256x1xf32, #tpu.memory_space<vmem>>, vector<256x1xf32>,
    %get3A_76 = arith.constant 0 : index
    %get3A_77 = arith.constant 0 : index
    %get3A_78 = vector.load %arg2[%get3A_76, %get3A_77] : memref<4x1024xf32, #tpu.memory_space<vmem>>, vector<1x1024xf32>
    %jit3A_79 = arith.constant 0.000000e+00 : f32
    %broadcast_in_dim3A_80 = vector.shape_cast %get3A_78 : vector<1x1024xf32> to vector<1x1024xf32>
    %broadcast_in_dim3A_81 = vector.broadcast %broadcast_in_dim3A_80 : vector<1x1024xf32> to vector<256x1024xf32>
    %broadcast_in_dim3A_82 = vector.broadcast %jit3A_79 : f32 to vector<256x1024xf32>
    %select_n3A_83 = arith.select %eq3A_58, %broadcast_in_dim3A_81, %broadcast_in_dim3A_82 : vector<256x1024xi1>, vector<256x1024xf32>
    %reduce_sum3A_84 = arith.constant dense<0.000000e+00> : vector<256xf32>
    %reduce_sum3A_85 = vector.multi_reduction <add>, %select_n3A_83, %reduce_sum3A_84 [1] : vector<256x1024xf32> to vector<256xf32>
    %broadcast_in_dim3A_86 = vector.shape_cast %reduce_sum3A_85 : vector<256xf32> to vector<256x1xf32>
    %get3A_87 = arith.constant 1 : index
    %get3A_88 = arith.constant 0 : index
    %get3A_89 = vector.load %arg2[%get3A_87, %get3A_88] : memref<4x1024xf32, #tpu.memory_space<vmem>>, vector<1x1024xf32>
    %jit3A_90 = arith.constant 0.000000e+00 : f32
    %broadcast_in_dim3A_91 = vector.shape_cast %get3A_89 : vector<1x1024xf32> to vector<1x1024xf32>
    %broadcast_in_dim3A_92 = vector.broadcast %broadcast_in_dim3A_91 : vector<1x1024xf32> to vector<256x1024xf32>
    %broadcast_in_dim3A_93 = vector.broadcast %jit3A_90 : f32 to vector<256x1024xf32>
    %select_n3A_94 = arith.select %eq3A_58, %broadcast_in_dim3A_92, %broadcast_in_dim3A_93 : vector<256x1024xi1>, vector<256x1024xf32>
    %reduce_sum3A_95 = arith.constant dense<0.000000e+00> : vector<256xf32>
    %reduce_sum3A_96 = vector.multi_reduction <add>, %select_n3A_94, %reduce_sum3A_95 [1] : vector<256x1024xf32> to vector<256xf32>
    %broadcast_in_dim3A_97 = vector.shape_cast %reduce_sum3A_96 : vector<256xf32> to vector<256x1xf32>
    %get3A_98 = arith.constant 2 : index
    %get3A_99 = arith.constant 0 : index
    %get3A_100 = vector.load %arg2[%get3A_98, %get3A_99] : memref<4x1024xf32, #tpu.memory_space<vmem>>, vector<1x1024xf32>
    %jit3A_101 = arith.constant 0.000000e+00 : f32
    %broadcast_in_dim3A_102 = vector.shape_cast %get3A_100 : vector<1x1024xf32> to vector<1x1024xf32>
    %broadcast_in_dim3A_103 = vector.broadcast %broadcast_in_dim3A_102 : vector<1x1024xf32> to vector<256x1024xf32>
    %broadcast_in_dim3A_104 = vector.broadcast %jit3A_101 : f32 to vector<256x1024xf32>
    %select_n3A_105 = arith.select %eq3A_58, %broadcast_in_dim3A_103, %broadcast_in_dim3A_104 : vector<256x1024xi1>, vector<256x1024xf32>
    %reduce_sum3A_106 = arith.constant dense<0.000000e+00> : vector<256xf32>
    %reduce_sum3A_107 = vector.multi_reduction <add>, %select_n3A_105, %reduce_sum3A_106 [1] : vector<256x1024xf32> to vector<256xf32>
    %broadcast_in_dim3A_108 = vector.shape_cast %reduce_sum3A_107 : vector<256xf32> to vector<256x1xf32>
    %get3A_109 = arith.constant 3 : index
    %get3A_110 = arith.constant 0 : index
    %get3A_111 = vector.load %arg2[%get3A_109, %get3A_110] : memref<4x1024xf32, #tpu.memory_space<vmem>>, vector<1x1024xf32>
    %jit3A_112 = arith.constant 0.000000e+00 : f32
    %broadcast_in_dim3A_113 = vector.shape_cast %get3A_111 : vector<1x1024xf32> to vector<1x1024xf32>
    %broadcast_in_dim3A_114 = vector.broadcast %broadcast_in_dim3A_113 : vector<1x1024xf32> to vector<256x1024xf32>
    %broadcast_in_dim3A_115 = vector.broadcast %jit3A_112 : f32 to vector<256x1024xf32>
    %select_n3A_116 = arith.select %eq3A_58, %broadcast_in_dim3A_114, %broadcast_in_dim3A_115 : vector<256x1024xi1>, vector<256x1024xf32>
    %reduce_sum3A_117 = arith.constant dense<0.000000e+00> : vector<256xf32>
    %reduce_sum3A_118 = vector.multi_reduction <add>, %select_n3A_116, %reduce_sum3A_117 [1] : vector<256x1024xf32> to vector<256xf32>
    %broadcast_in_dim3A_119 = vector.shape_cast %reduce_sum3A_118 : vector<256xf32> to vector<256x1xf32>
    %concatenate3A = tpu.concatenate %broadcast_in_dim3A_86, %broadcast_in_dim3A_97, %broadcast_in_dim3A_108, %broadcast_in_dim3A_119 in 1 : vector<256x1xf32>, vector<256x1xf32>, vector<256x1xf32>, vector<256x1xf32> -> vector<256x4xf32>
    %swap3A_120 = arith.constant 0 : index
    %swap3A_121 = arith.constant 0 : index
    %swap3A_122 = vector.load %arg7[%swap3A_120, %swap3A_121] : memref<256x4xf32, #tpu.memory_space<vmem>>, vector<256x4xf32>
    tpu.vector_store %arg7[%swap3A_120, %swap3A_121], %concatenate3A {strides = array<i32>} : memref<256x4xf32, #tpu.memory_space<vmem>>, vector<256x4xf32>,
    %and3A_123 = vector.broadcast %gt3A_47 : vector<256x1xi1> to vector<256x1024xi1>
    %and3A_124 = arith.andi %eq3A_58, %and3A_123 : vector<256x1024xi1>
    %jit3A_125 = arith.constant 1.000000e+00 : f32
    %jit3A_126 = arith.constant 0.000000e+00 : f32
    %broadcast_in_dim3A_127 = vector.broadcast %jit3A_125 : f32 to vector<256x1024xf32>
    %broadcast_in_dim3A_128 = vector.broadcast %jit3A_126 : f32 to vector<256x1024xf32>
    %select_n3A_129 = arith.select %and3A_124, %broadcast_in_dim3A_127, %broadcast_in_dim3A_128 : vector<256x1024xi1>, vector<256x1024xf32>
    %reduce_sum3A_130 = arith.constant dense<0.000000e+00> : vector<1024xf32>
    %reduce_sum3A_131 = vector.multi_reduction <add>, %select_n3A_129, %reduce_sum3A_130 [0] : vector<256x1024xf32> to vector<1024xf32>
    %broadcast_in_dim3A_132 = vector.shape_cast %reduce_sum3A_131 : vector<1024xf32> to vector<1x1024xf32>
    %eq3A_133 = arith.constant 0 : i32
    %eq3A_134 = arith.cmpi eq, %arg0, %eq3A_133 : i32
    %convert_element_type3A = arith.extui %eq3A_134 : i1 to i32
    %cond3A = arith.constant 0 : i32
    %cond3A_135 = arith.cmpi ne, %convert_element_type3A, %cond3A : i32
    scf.if %cond3A_135 {
      %broadcast_in_dim3A_158 = arith.constant 0.000000e+00 : f32
      %broadcast_in_dim3A_159 = vector.broadcast %broadcast_in_dim3A_158 : f32 to vector<1x1024xf32>
      %swap3A_160 = arith.constant 0 : index
      %swap3A_161 = arith.constant 0 : index
      %swap3A_162 = vector.load %arg9[%swap3A_160, %swap3A_161] : memref<1x1024xf32, #tpu.memory_space<vmem>>, vector<1x1024xf32>
      tpu.vector_store %arg9[%swap3A_160, %swap3A_161], %broadcast_in_dim3A_159 {strides = array<i32>} : memref<1x1024xf32, #tpu.memory_space<vmem>>, vector<1x1024xf32>,
    } else {
    }
    %get3A_136 = arith.constant 0 : index
    %get3A_137 = arith.constant 0 : index
    %get3A_138 = vector.load %arg9[%get3A_136, %get3A_137] : memref<1x1024xf32, #tpu.memory_space<vmem>>, vector<1x1024xf32>
    %add3A_139 = arith.addf %get3A_138, %broadcast_in_dim3A_132 : vector<1x1024xf32>
    %swap3A_140 = arith.constant 0 : index
    %swap3A_141 = arith.constant 0 : index
    %swap3A_142 = vector.load %arg9[%swap3A_140, %swap3A_141] : memref<1x1024xf32, #tpu.memory_space<vmem>>, vector<1x1024xf32>
    tpu.vector_store %arg9[%swap3A_140, %swap3A_141], %add3A_139 {strides = array<i32>} : memref<1x1024xf32, #tpu.memory_space<vmem>>, vector<1x1024xf32>,
    %get3A_143 = arith.constant 0 : index
    %get3A_144 = arith.constant 0 : index
    %get3A_145 = vector.load %arg9[%get3A_143, %get3A_144] : memref<1x1024xf32, #tpu.memory_space<vmem>>, vector<1x1024xf32>
    %gt3A_146 = arith.constant 0.000000e+00 : f32
    %gt3A_147 = vector.broadcast %gt3A_146 : f32 to vector<1x1024xf32>
    %gt3A_148 = arith.cmpf ogt, %get3A_145, %gt3A_147 : vector<1x1024xf32>
    %get3A_149 = arith.constant 0 : index
    %get3A_150 = arith.constant 0 : index
    %get3A_151 = vector.load %arg4[%get3A_149, %get3A_150] : memref<1x1024xf32, #tpu.memory_space<vmem>>, vector<1x1024xf32>
    %jit3A_152 = arith.constant 0.000000e+00 : f32
    %broadcast_in_dim3A_153 = vector.broadcast %jit3A_152 : f32 to vector<1x1024xf32>
    %select_n3A_154 = arith.select %gt3A_148, %broadcast_in_dim3A_153, %get3A_151 : vector<1x1024xi1>, vector<1x1024xf32>
    %swap3A_155 = arith.constant 0 : index
    %swap3A_156 = arith.constant 0 : index
    %swap3A_157 = vector.load %arg8[%swap3A_155, %swap3A_156] : memref<1x1024xf32, #tpu.memory_space<vmem>>, vector<1x1024xf32>
    tpu.vector_store %arg8[%swap3A_155, %swap3A_156], %select_n3A_154 {strides = array<i32>} : memref<1x1024xf32, #tpu.memory_space<vmem>>, vector<1x1024xf32>,
    return
  }
  func.func @transform_0(%arg0: i32) -> (i32, i32) {
    %c0_i32 = arith.constant 0 : i32
    %c0_i32_0 = arith.constant 0 : i32
    return %arg0, %c0_i32 : i32, i32
  }
  func.func @transform_1(%arg0: i32) -> (i32, i32) {
    %c0_i32 = arith.constant 0 : i32
    %c0_i32_0 = arith.constant 0 : i32
    %c0_i32_1 = arith.constant 0 : i32
    return %c0_i32, %c0_i32_0 : i32, i32
  }
  func.func @transform_2(%arg0: i32) -> (i32, i32) {
    %c0_i32 = arith.constant 0 : i32
    %c0_i32_0 = arith.constant 0 : i32
    return %arg0, %c0_i32 : i32, i32
  }
  func.func @transform_3(%arg0: i32) -> (i32, i32) {
    %c0_i32 = arith.constant 0 : i32
    %c0_i32_0 = arith.constant 0 : i32
    %c0_i32_1 = arith.constant 0 : i32
    return %c0_i32, %c0_i32_0 : i32, i32
  }
  func.func @transform_4(%arg0: i32) -> (i32, i32) {
    %c0_i32 = arith.constant 0 : i32
    %c0_i32_0 = arith.constant 0 : i32
    return %arg0, %c0_i32 : i32, i32
  }
  func.func @transform_5(%arg0: i32) -> (i32, i32) {
    %c0_i32 = arith.constant 0 : i32
    %c0_i32_0 = arith.constant 0 : i32
    return %arg0, %c0_i32 : i32, i32
  }
  func.func @transform_6(%arg0: i32) -> (i32, i32) {
    %c0_i32 = arith.constant 0 : i32
    %c0_i32_0 = arith.constant 0 : i32
    return %arg0, %c0_i32 : i32, i32
  }
  func.func @transform_7(%arg0: i32) -> (i32, i32) {
    %c0_i32 = arith.constant 0 : i32
    %c0_i32_0 = arith.constant 0 : i32
    %c0_i32_1 = arith.constant 0 : i32
    return %c0_i32, %c0_i32_0 : i32, i32
  }
}

</mosaic_0001>

<sc_bundles>
// kernel: kernel.4.cloned.1.call-start
scs
__scs_entry_jumppad:
0x0: {  	(pc) =	sbr.rel $0x88, $3  }
0x1: {  	(tag) =	ssettag $0x0;
	lr =	simm.s32 $0x1  }
0x2: {  	[smem:$0x3F9D] =	sst lr;
	_ =	strace $0xD0000000  }
0x3: {  	_ = 	snop  }
0x4: {  	_ = 	snop  }
0x5: {  	_ = 	snop  }
0x6: {  	_ = 	snop  }
0x7: {  	_ = 	snop  }
__scs_overlays_trampoline_lowered:
0x8: {  	[smem:$0x3FAC] =	sst s0  }
0x9: {  	[smem:$0x3FAD] =	sst s1  }
0xa: {  	[smem:$0x3FAE] =	sst s2  }
0xb: {  	[smem:$0x3FAF] =	sst s3  }
0xc: {  	[smem:$0x3FB0] =	sst s4  }
0xd: {  	[smem:$0x3FB1] =	sst s5  }
0xe: {  	[smem:$0x3FB2] =	sst s6  }
0xf: {  	[smem:$0x3FB3] =	sst s7  }
0x10: {  	[smem:$0x3FB4] =	sst s8  }
0x11: {  	[smem:$0x3FB5] =	sst s9;
	s0 =	simm.s32 @!p0 $0x0  }
0x12: {  	s1 =	sld [smem:$0x3F9B];
	s0 =	simm.s32 @p0 $0x1  }
0x13: {  	[smem:$0x3FB6] =	sst s0;
	s0 =	simm.s32 @!p1 $0x0  }
0x14: {  	s2 =	sld [smem:$0x3F9A];
	s0 =	simm.s32 @p1 $0x1  }
0x15: {  	[smem:$0x3FB7] =	sst s0;
	s0 =	simm.s32 @!p2 $0x0  }
0x16: {  	s3 =	sld [smem:$0x3FDB];
	s0 =	simm.s32 @p2 $0x1  }
0x17: {  	s4 =	simm.s32 $0x1BF5;
	[smem:$0x3FB9] =	sst s0  }
0x18: {  	s0 =	sld [smem:$0x3F9C];
	_ =	swait.ge [sflag:s4], $0x0  }
0x19: {  	s7 =	sld [smem:$0x3F9D]  }
0x1a: {  	s8 =	sadd.s32 $0xFFFFE003, lr  }
0x1b: {  	s9 =	sadd.s32 $0xFFFFFEF7, lr;
	s5 =	simm.s32 $0xFFFFFFFF;
	p2 =	slt.u32 s8, $0xFFFFF086  }
0x1c: {  	p1 =	slt.u32 s9, $0xF7A;
	s5 =	simm.s32 @!p2 $0x0  }
0x1d: {  	s5 =	simm.s32 @p1 $0x1;
	p0 =	seq.s32 s7, s2  }
0x1e: {  	s7 =	smul.u32 @!p0 $0xF7A, s2;
	p2 =	seq.s32 @!p0 s5, $0x0  }
0x1f: {  	s9 =	smul.u32 $0xF7A, s1;
	s8 =	simm.s32 @!p0 $0x1BF5;
	p2 =	por !p2, p0  }
0x20: {  	[sflag:s8] =	ssyncset.s32 @!p0 $0xFFFFF086;
	s6 =	sadd.s32 @!p0 s3, s7;
	s7 =	simm.s32 @!p0 $0x108  }
0x21: {  	s3 =	sadd.s32 s3, s9;
	s6 =	sadd.s32 @!p0 $0x88, s6;
	s7 =	simm.s32 @p2 $0x1082  }
0x22: {  	[simem:s7], [sflag:s8] =	dma.local @!p0 [hbm:s6], $0xF7A  }
0x23: {  	s9 =	sor.u32 $0xD0000000, s2;
	s6 =	simm.s32 $0x108;
	_ =	swait.ge @!p0 [sflag:s8], $0x0  }
0x24: {  	s3 =	sadd.s32 $0x88, s3;
	s6 =	simm.s32 @!p1 $0x1082;
	[sflag:s4] =	ssyncset.s32 $0xFFFFF086  }
0x25: {  	[simem:s6], [sflag:s4] =	dma.local [hbm:s3], $0xF7A  }
0x26: {  	[smem:$0x3F9D] =	sst s1;
	(tag) =	ssettag s2;
	_ =	strace s9  }
0x27: {  	s1 =	sld [smem:$0x3FAD]  }
0x28: {  	s2 =	sld [smem:$0x3FAE]  }
0x29: {  	s4 =	sld [smem:$0x3FB0]  }
0x2a: {  	p0 =	seq.s32 s5, $0x0;
	s5 =	sld [smem:$0x3FB1]  }
0x2b: {  	s6 =	sld [smem:$0x3FB2]  }
0x2c: {  	s7 =	sld [smem:$0x3FB3]  }
0x2d: {  	s3 =	simm.s32 $0x108;
	s8 =	sld [smem:$0x3FB4]  }
0x2e: {  	s3 =	simm.s32 @!p0 $0x1082;
	s9 =	sld [smem:$0x3FB5]  }
0x2f: {  	lr =	sadd.s32 s0, s3;
	s0 =	sld [smem:$0x3FAC]  }
0x30: {  	s3 =	sld [smem:$0x3FAF]  }
0x31: {  	[smem:$0x3FB8] =	sst s10  }
0x32: {  	s10 =	sld [smem:$0x3FB6];
	_ =	sdelay $0x3  }
0x33: {  	p0 =	seq.s32 s10, $0x1;
	s10 =	sld [smem:$0x3FB8];
	_ =	sdelay $0x3  }
0x34: {  	[smem:$0x3FB8] =	sst s10  }
0x35: {  	s10 =	sld [smem:$0x3FB7];
	_ =	sdelay $0x3  }
0x36: {  	p1 =	seq.s32 s10, $0x1;
	s10 =	sld [smem:$0x3FB8];
	_ =	sdelay $0x3  }
0x37: {  	[smem:$0x3FB8] =	sst s10  }
0x38: {  	s10 =	sld [smem:$0x3FB9]  }
0x39: {  	_ = 	snop;
	(pc) =	sbr.ind lr, $3  }
0x3a: {  	_ = 	snop  }
0x3b: {  	_ = 	snop  }
0x3c: {  	p2 =	seq.s32 s10, $0x1;
	s10 =	sld [smem:$0x3FB8]  }
0x3d: {  	_ =	shalt  }
0x3e: {  	_ =	shalt  }
0x3f: {  	_ =	shalt  }
0x40: {  	_ =	shalt  }
0x41: {  	_ =	shalt  }
0x42: {  	_ =	shalt  }
0x43: {  	_ =	shalt  }
0x44: {  	_ =	shalt  }
0x45: {  	_ =	shalt  }
0x46: {  	_ =	shalt  }
0x47: {  	_ =	shalt  }
0x48: {  	_ =	shalt  }
0x49: {  	_ =	shalt  }
0x4a: {  	_ =	shalt  }
0x4b: {  	_ =	shalt  }
0x4c: {  	_ =	shalt  }
0x4d: {  	_ =	shalt  }
0x4e: {  	_ =	shalt  }
0x4f: {  	_ =	shalt  }
0x50: {  	_ =	shalt  }
0x51: {  	_ =	shalt  }
0x52: {  	_ =	shalt  }
0x53: {  	_ =	shalt  }
0x54: {  	_ =	shalt  }
0x55: {  	_ =	shalt  }
0x56: {  	_ =	shalt  }
0x57: {  	_ =	shalt  }
0x58: {  	_ =	shalt  }
0x59: {  	_ =	shalt  }
0x5a: {  	_ =	shalt  }
0x5b: {  	_ =	shalt  }
0x5c: {  	_ =	shalt  }
0x5d: {  	_ =	shalt  }
0x5e: {  	_ =	shalt  }
0x5f: {  	_ =	shalt  }
0x60: {  	_ =	shalt  }
0x61: {  	_ =	shalt  }
0x62: {  	_ =	shalt  }
0x63: {  	_ =	shalt  }
0x64: {  	_ =	shalt  }
0x65: {  	_ =	shalt  }
0x66: {  	_ =	shalt  }
0x67: {  	_ =	shalt  }
0x68: {  	_ =	shalt  }
0x69: {  	_ =	shalt  }
0x6a: {  	_ =	shalt  }
0x6b: {  	_ =	shalt  }
0x6c: {  	_ =	shalt  }
0x6d: {  	_ =	shalt  }
0x6e: {  	_ =	shalt  }
0x6f: {  	_ =	shalt  }
0x70: {  	_ =	shalt  }
0x71: {  	_ =	shalt  }
0x72: {  	_ =	shalt  }
0x73: {  	_ =	shalt  }
0x74: {  	_ =	shalt  }
0x75: {  	_ =	shalt  }
0x76: {  	_ =	shalt  }
0x77: {  	_ =	shalt  }
0x78: {  	_ =	shalt  }
0x79: {  	_ =	shalt  }
0x7a: {  	_ =	shalt  }
0x7b: {  	_ =	shalt  }
0x7c: {  	_ =	shalt  }
0x7d: {  	_ =	shalt  }
0x7e: {  	_ =	shalt  }
0x7f: {  	_ =	shalt  }
0x80: {  	_ =	shalt  }
0x81: {  	_ =	shalt  }
0x82: {  	_ =	shalt  }
0x83: {  	_ =	shalt  }
0x84: {  	_ =	shalt  }
0x85: {  	_ =	shalt  }
0x86: {  	_ =	shalt  }
0x87: {  	_ =	shalt  }
.Lfunc_end0:
.L_simem_size_0:
called_computation_lowered:
.L_overlay_start_0:
0x88: {  	s2 =	sld [smem:$0x3FD9]  }
0x89: {  	s3 =	sld [smem:$0x3FFE];
	_ =	sdelay $0x1  }
0x8a: {  	s1 =	srdreg.scid  }
0x8b: {  	s0 =	sand.u32 $0x1, s1  }
0x8c: {  	s17 =	sshll.u32 s0, $0xA;
	s2 =	sadd.s32 s3, s2  }
0x8d: {  	s2 =	sadd.s32 s2, s17  }
0x8e: {  	[smem:$0x3FC4] =	sst s2  }
0x8f: {  	_ = 	snop  }
0x90: {  	s2 =	sld [smem:$0x3FD0];
	(tm) =	ssettm $0x1  }
0x91: {  	s18 =	sld [smem:$0x3FFB];
	_ =	sdelay $0x3  }
0x92: {  	_ =	strace s18  }
0x93: {  	s3 =	sld [smem:$0x3FFC];
	_ =	sdelay $0x3  }
0x94: {  	_ =	strace s3  }
0x95: {  	s3 =	sld [smem:$0x3FFD];
	_ =	sdelay $0x3  }
0x96: {  	_ =	strace s3  }
0x97: {  	_ =	strace $0x8FFFFFFF  }
0x98: {  	s19 =	sld [smem:$0x3FDB];
	_ =	sdelay $0x1  }
0x99: {  	s4 =	simm.s32 $_scs_section_size  }
0x9a: {  	s5 =	simm.s32 $_size__tile_overlayer_lowered;
	s6 =	simm.s32 $_tile_overlayer_lowered  }
0x9b: {  	s22 =	simm.s32 $0x1BFF;
	s21 =	sshll.u32 s6, $0x1;
	s3 =	sadd.s32 s4, s19  }
0x9c: {  	s7 =	simm.s32 $0x0;
	s20 =	sshll.u32 s5, $0x1;
	s5 =	sadd.s32 s21, s3  }
0x9d: {  	[timem:s7], [sflag:s22] =	dma.local [hbm:s5], s20  }
0x9e: {  	_ =	swait.ge [sflag:s22], s20  }
0x9f: {  	s4 =	ssub.s32 $0x0, s20;
	[sflag:s22] =	ssyncset.done $0x0  }
0xa0: {  	[sflag:s22] =	ssyncadd.s32 s4;
	_ =	sdelay $0x1  }
0xa1: {  	s23 =	simm.s32 $0x1B8B  }
0xa2: {  	_ =	swait.ge [sflag:s23], $0x1  }
0xa3: {  	[sflag:s23] =	ssyncset.done $0x0  }
0xa4: {  	s25 =	simm.s32 $0x1B8E;
	s24 =	sld [smem:$0x3FFE];
	[sflag:s23] =	ssyncadd.s32 $0xFFFFFFFF  }
0xa5: {  	s26 =	simm.s32 $execute0_lowered;
	[smem:$0x3FD2] =	sst s25  }
0xa6: {  	s5 =	sshll.u32 s26, $0x1;
	_ =	strace $0x80000046;
	[dreg:$0x1] =	wrdreg $0xFFFFFFFF  }
0xa7: {  	s28 =	simm.s32 $_size_execute0_lowered;
	s3 =	sadd.s32 s3, s5;
	[dreg:$0x0] =	wrdreg $0x0  }
0xa8: {  	s5 =	sshll.u32 s28, $0x1;
	[dreg:$0x2] =	wrdreg s3  }
0xa9: {  	[dreg:$0x3] =	wrdreg s5  }
0xaa: {  	[dreg:$0x4] =	wrdreg $0xC0  }
0xab: {  	_ =	task [dreg:s7], $0x5FFFF  }
0xac: {  	[dreg:$0x1] =	wrdreg $0xFFFFFFFF  }
0xad: {  	[dreg:$0x0] =	wrdreg $0x60  }
0xae: {  	[dreg:$0x2] =	wrdreg s2  }
0xaf: {  	[dreg:$0x3] =	wrdreg s24  }
0xb0: {  	[dreg:$0x4] =	wrdreg $0x9  }
0xb1: {  	_ =	task.clear_ibuf [dreg:s7], $0x5FFFF;
	_ =	strace $0x90000046  }
0xb2: {  	s29 =	simm.s32 $0x9;
	_ =	strace $0x80000048  }
0xb3: {  	_ =	swait.ge [sflag:s29], $0x1  }
0xb4: {  	[sflag:s29] =	ssyncadd.s32 $0xFFFFFFFF  }
0xb5: {  	_ =	strace $0x90000048  }
0xb6: {  	_ =	sfence  }
0xb7: {  	s30 =	sld [smem:$0x0];
	_ =	sdelay $0x2  }
0xb8: {  	s31 =	sshll.u32 s1, $0xD;
	s1 =	sshrl.u32 s1, $0x2  }
0xb9: {  	s3 =	sand.u32 $0x4000, s31;
	s1 =	sadd.s32 s1, s30  }
0xba: {  	s0 =	sor.u32 s3, s0;
	s1 =	sshll.u32 s1, $0x11  }
0xbb: {  	s0 =	sor.u32 s1, s0  }
0xbc: {  	s0 =	sadd.s32 $0x8F2B, s0  }
0xbd: {  	[sflag:s0] =	ssyncadd.remote.s32 $0x1  }
0xbe: {  	_ =	sfence.sel $0xFFFF  }
0xbf: {  	[dreg:$0x0] =	wrdreg $0xFFFFFFFF;
	(pc) =	sbr.abs _section_cstart, $3  }
0xc0: {  	[dreg:$0x1] =	wrdreg $0xFFFFFFFF  }
0xc1: {  	_ =	task.clear_ibuf [dreg:s7], $0x2FFFF;
	_ =	strace $0x9FFFFFFF  }
0xc2: {  	(tm) =	ssettm $0x7FFFFFFF  }
0xc3: {  	_ =	shalt  }
tec
execute0_lowered:
.L_overlay_start_1:
0x0: {  	(tag) =	ssettag $0x1  }
0x1: {  	s1 =	stileid.u32  }
0x2: {  	p0 =	sgt.u32 s1, $0xB  }
.Ltmp0:
0x3: {  	_ = 	snop;
	(pc) =	sbr.rel @p0 .LBB2_19-.Ltmp0, $4  }
0x4: {  	_ = 	snop  }
0x5: {  	s2 =	rddreg [dreg:$0x0];
	s3 =	simm.s32 $0x0  }
0x6: {  	[smem:$0x7FF] =	sst s3  }
0x7: {  	s7 =	rddreg [dreg:$0x1];
	_ =	strace $0x80000047  }
0x8: {  	s4 =	srdreg.scid;
	s31 =	sshll.u32 s1, $0x1  }
0x9: {  	s11 =	simm.s32 $0x6100;
	s12 =	simm.s32 $0x6200;
	s13 =	simm.s32 $0x6300  }
0xa: {  	s14 =	simm.s32 $0x6400;
	s15 =	simm.s32 $0x6500;
	s8 =	sand.u32 $0x1, s4  }
0xb: {  	v2 =	vimm.f32 $0.0e+00;
	v4 =	vimm.s32 $0x3040;
	s16 =	simm.s32 $0x6600;
	s17 =	simm.s32 $0x6700;
	s9 =	sor.u32 s8, s31  }
0xc: {  	vm0 =	vcmask $0x300;
	v3 =	vimm.s32 $0x0;
	vm13 =	vcmask $0x704;
	s18 =	simm.s32 $0x6800;
	s19 =	simm.s32 $0x4900;
	s4 =	sshll.u32 s9, $0x3  }
0xd: {  	vm14 =	vcmask $0xB08;
	vm15 =	vcmask $0xF0C;
	v5 =	vsel vm0, $0x0, v4;
	s8 =	ssub.s32 $0x2, s8;
	s9 =	smul.u32 $0x300, s9;
	s6 =	sadd.s32 $0x8, s4  }
0xe: {  	v4 =	vlaneseq.u32;
	v6 =	vsel vm13, $0xC10, v5;
	v5 =	vimm.s32 $0xC00;
	s10 =	sshrl.u32 s8, $0x1;
	s5 =	scvt.s32.f32 s4;
	s6 =	scvt.s32.f32 s6  }
0xf: {  	s20 =	simm.s32 $0x0;
	v7 =	vor.u32 $0x10, v4;
	v8 =	vshrl.u32 v4, $0x1;
	v6 =	vsel vm14, $0x1820, v6;
	s8 =	ssub.s32 s8, s10;
	s10 =	simm.s32 $0x3C80  }
0x10: {  	v6 =	vsel vm15, $0x2430, v6;
	s7 =	sadd.s32 s7, s9;
	s8 =	smax.u32 s8, $0x1;
	s9 =	simm.s32 $0x1;
	v1 =	vmov s5;
	v0 =	vmov s6  }
.LBB2_2:
0x11: {  	s21 =	simm.s32 $0x0  }
0x12: {  	[tilespmem:s21], [sflag:$0x1] =	stream.linear.gather [hbm4b:s2+s21], $0x3C80, $0x38;
	[tilespmem:$0x6900] =	vst v63  }
0x13: {  	_ =	swait.ge [sflag:s9], $0x3C80  }
0x14: {  	[sflag:s9] =	ssyncset.done $0x0  }
0x15: {  	s22 =	simm.s32 $0x0;
	s23 =	simm.s32 $0x40;
	[sflag:s9] =	ssyncadd.s32 $0xFFFFC380  }
.LBB2_3:
0x16: {  	p0 =	sne.s32 s23, $0x2C0;
	[tilespmem:s22+$0x6800] =	vst v2  }
0x17: {  	[tilespmem:s22+$0x6100] =	vst v2  }
0x18: {  	[tilespmem:s22+$0x6200] =	vst v2  }
.Ltmp1:
0x19: {  	[tilespmem:s22+$0x6300] =	vst v2;
	(pc) =	sbr.rel @p0 .LBB2_3-.Ltmp1, $4  }
0x1a: {  	[tilespmem:s22+$0x6400] =	vst v2  }
0x1b: {  	[tilespmem:s22+$0x6500] =	vst v2  }
0x1c: {  	[tilespmem:s22+$0x6600] =	vst v2  }
0x1d: {  	[tilespmem:s22+$0x6700] =	vst v2;
	s22 =	sshra.s32 s23, $0x2;
	s23 =	sadd.s32 $0x40, s23  }
0x1e: {  	[tilespmem:s22+$0x6800] =	vst v2  }
0x1f: {  	[tilespmem:s22+$0x6100] =	vst v2  }
0x20: {  	[tilespmem:s22+$0x6200] =	vst v2  }
0x21: {  	[tilespmem:s22+$0x6300] =	vst v2  }
0x22: {  	[tilespmem:s22+$0x6400] =	vst v2  }
0x23: {  	[tilespmem:s22+$0x6500] =	vst v2  }
0x24: {  	[tilespmem:s22+$0x6600] =	vst v2  }
0x25: {  	[tilespmem:s22+$0x6700] =	vst v2  }
0x26: {  	v9 =	vld [tilespmem:s21+$0x3040]  }
0x27: {  	v10 =	vld [tilespmem:s21+$0xC10]  }
0x28: {  	v11 =	vld [tilespmem:s21+$0x0];
	_ =	sdelay $0x3  }
0x29: {  	vm0 =	vgt.f32 v10, v1;
	vm1 =	vgt.f32 v9, $0.0e+00  }
0x2a: {  	vm2 =	vlt.f32 v11, v0;
	vm0 =	vmand vm0, vm1  }
0x2b: {  	vm0 =	vmand vm0, vm2  }
0x2c: {  	v9 =	vsel vm0, $0x1, v3  }
0x2d: {  	(xrf0) =	vadd.scan.msk.s32 $0xffff, v9;
	_ =	sdelay $0x4  }
0x2e: {  	v9 =	vsel vm0, $0xFFFFFFFF, v3  }
0x2f: {  	v9 =	vadd.s32 s21, v9;
	v10, _, _ =	vpop (xrf0)  }
0x30: {  	v9 =	vadd.s32 v10, v9;
	(v2sf) =	vpush v10, $0xF;
	_ =	sdelay $0x3  }
0x31: {  	v11 =	vor.u32 s21, v4  }
0x32: {  	s23 =	simm.s32 $0x10;
	[tilespmem:v9+s10+$0x0] =	vst.idx.msk vm0, v11  }
0x33: {  	v9 =	vld [tilespmem:s23+$0x3040]  }
0x34: {  	s24 =	simm.s32 $0x20;
	s22 =	simm.s32 $0x10;
	v10 =	vld [tilespmem:s23+$0xC10]  }
.LBB2_5:
0x35: {  	p0 =	sne.s32 s24, $0xBF0;
	v11 =	vld [tilespmem:s23+$0x0];
	_ =	sdelay $0x3  }
0x36: {  	vm1 =	vgt.f32 v9, $0.0e+00;
	vm0 =	vgt.f32 v10, v1  }
0x37: {  	vm2 =	vlt.f32 v11, v0;
	vm0 =	vmand vm0, vm1  }
0x38: {  	vm0 =	vmand vm0, vm2  }
0x39: {  	v9 =	vsel vm0, $0xFFFFFFFF, v3;
	v10 =	vsel vm0, $0x1, v3;
	s25 =	spop (v2sf)  }
0x3a: {  	(xrf0) =	vadd.scan.msk.s32 $0xffff, v10;
	s21 =	sadd.s32 s21, s25  }
0x3b: {  	v9 =	vadd.s32 s21, v9;
	_ =	sdelay $0x4  }
0x3c: {  	v10, _, _ =	vpop (xrf0)  }
0x3d: {  	v9 =	vadd.s32 v10, v9;
	(v2sf) =	vpush v10, $0xF;
	_ =	sdelay $0x2  }
.Ltmp2:
0x3e: {  	(pc) =	sbr.rel @p0 .LBB2_5-.Ltmp2, $4  }
0x3f: {  	v10 =	vor.u32 s22, v4;
	s22 =	smov.u32 s24  }
0x40: {  	s23 =	sadd.s32 $0x10, s23;
	[tilespmem:v9+s10+$0x0] =	vst.idx.msk vm0, v10  }
0x41: {  	v9 =	vld [tilespmem:s23+$0x3040]  }
0x42: {  	s24 =	sadd.s32 $0x10, s24;
	v10 =	vld [tilespmem:s23+$0xC10]  }
0x43: {  	v11 =	vld [tilespmem:s23+$0x0];
	_ =	sdelay $0x3  }
0x44: {  	vm1 =	vgt.f32 v9, $0.0e+00;
	vm0 =	vgt.f32 v10, v1  }
0x45: {  	vm2 =	vlt.f32 v11, v0;
	vm0 =	vmand vm0, vm1  }
0x46: {  	vm0 =	vmand vm0, vm2  }
0x47: {  	v9 =	vsel vm0, $0x1, v3  }
0x48: {  	(xrf0) =	vadd.scan.msk.s32 $0xffff, v9;
	_ =	sdelay $0x5  }
0x49: {  	v9, _, _ =	vpop (xrf0)  }
0x4a: {  	(v2sf) =	vpush v9, $0xF;
	_ =	sdelay $0xc  }
0x4b: {  	s30 =	spop (v2sf)  }
0x4c: {  	v10 =	vsel vm0, $0xFFFFFFFF, v3;
	s21 =	sadd.s32 s21, s30  }
0x4d: {  	v10 =	vadd.s32 s21, v10;
	s23 =	spop (v2sf)  }
0x4e: {  	v9 =	vadd.s32 v9, v10;
	s31 =	sadd.s32 s21, s23  }
0x4f: {  	p0 =	slt.s32 s31, $0x1  }
.Ltmp3:
0x50: {  	_ = 	snop;
	(pc) =	sbr.rel @p0 .LBB2_16-.Ltmp3, $4  }
0x51: {  	_ = 	snop  }
0x52: {  	v10 =	vor.u32 s22, v4  }
0x53: {  	[tilespmem:v9+s10+$0x0] =	vst.idx.msk vm0, v10  }
0x54: {  	[tilespmem:s31+$0x3C80] =	vst v5  }
0x55: {  	v9 =	vld.msk [tilespmem:$0x3C80 ss:$0x0], $0xffff;
	_ =	sdelay $0x3  }
0x56: {  	s21 =	sadd.s32 s21, s23  }
0x57: {  	p1 =	sne.s32 s21, $0x1;
	v9 =	vadd.s32 v6, v9  }
.Ltmp4:
0x58: {  	_ = 	snop;
	(pc) =	sbr.rel @!p1 .LBB2_8-.Ltmp4, $3  }
0x59: {  	_ =	sdelay $0x1  }
0x5a: {  	s23 =	simm.s32 $0x3C81  }
0x5b: {  	p2 =	por $0x0, $0x0;
	p0 =	por $0x0, $0x0;
	s21 =	sadd.s32 $0xFFFFFFFF, s21;
	v9 =	vld.idx.msk [tilespmem:v9+s3+$0x0], $0xffff  }
0x5c: {  	_ =	sdelay $0x1  }
0x5d: {  	p1 =	sne.s32 s21, $0x1  }
.Ltmp5:
0x5e: {  	_ = 	snop;
	(pc) =	sbr.rel @!p1 .LBB2_10-.Ltmp5, $4  }
0x5f: {  	(v2sf) =	vpush v9, $0x0  }
0x60: {  	(v2sf) =	vpush v9, $0x1  }
0x61: {  	(v2sf) =	vpush v9, $0x2  }
0x62: {  	s21 =	sadd.s32 $0xFFFFFFFF, s21;
	p2 =	por $0x1, $0x1;
	(v2sf) =	vpush v9, $0x3  }
0x63: {  	_ =	sdelay $0xa  }
0x64: {  	s22 =	spop (v2sf)  }
0x65: {  	s24 =	spop (v2sf)  }
0x66: {  	s22 =	smax.f32 s22, s5;
	s24 =	smin.f32 s24, s6  }
0x67: {  	v10 =	vld.msk [tilespmem:s23+$0x0 ss:$0x0], $0xffff;
	s31 =	spop (v2sf);
	s25 =	scvt.f32.s32 s24  }
0x68: {  	s22 =	scvt.f32.s32 s22;
	s24 =	scvt.f32.s32 s31  }
0x69: {  	s25 =	ssub.s32 s25, s4  }
0x6a: {  	s22 =	ssub.s32 s22, s4;
	s26 =	smov.u32 s24;
	p1 =	sgt.s32 s25, $0x0  }
0x6b: {  	p2 =	slt.s32 s22, $0x1;
	s26 =	simm.s32 @!p1 $0xC0  }
0x6c: {  	v10 =	vadd.s32 v6, v10;
	s23 =	smov.u32 s24;
	p1 =	sgt.s32 s25, $0x4;
	s26 =	simm.s32 @!p2 $0xC0  }
0x6d: {  	p2 =	slt.s32 s22, $0x5;
	s23 =	simm.s32 @!p1 $0xC0;
	v11 =	vadd.s32 s26, v4  }
0x6e: {  	s28 =	smov.u32 s24;
	p1 =	sgt.s32 s25, $0x2;
	s23 =	simm.s32 @!p2 $0xC0;
	v12 =	vadd.s32 s26, v7  }
0x6f: {  	s29 =	smov.u32 s24;
	p2 =	slt.s32 s22, $0x3;
	s28 =	simm.s32 @!p1 $0xC0;
	v13 =	vadd.s32 s23, v7  }
0x70: {  	p1 =	sgt.s32 s25, $0x7;
	s26 =	smov.u32 s24;
	s28 =	simm.s32 @!p2 $0xC0;
	v20 =	vadd.s32 s23, v4  }
0x71: {  	v10 =	vld.idx.msk [tilespmem:v10+s3+$0x0], $0xffff;
	p2 =	slt.s32 s22, $0x8;
	s26 =	simm.s32 @!p1 $0xC0;
	p1 =	sgt.s32 s25, $0x1;
	v16 =	vadd.s32 s28, v4  }
0x72: {  	s26 =	simm.s32 @!p2 $0xC0;
	p2 =	slt.s32 s22, $0x2;
	s29 =	simm.s32 @!p1 $0xC0;
	v17 =	vadd.s32 s28, v7;
	v28 =	vld.idx.msk [tilespmem:v11+s11+$0x0], $0xffff  }
0x73: {  	v14 =	vadd.s32 s26, v4;
	s29 =	simm.s32 @!p2 $0xC0;
	v30 =	vld.idx.msk [tilespmem:v12+s11+$0x0], $0xffff  }
0x74: {  	s0 =	spop (v2sf);
	s30 =	smov.u32 s24;
	p1 =	sgt.s32 s25, $0x5;
	v24 =	vadd.s32 s29, v4;
	v23 =	vld.idx.msk [tilespmem:v13+s15+$0x0], $0xffff  }
0x75: {  	s28 =	scvt.f32.s32 s0;
	s30 =	simm.s32 @!p1 $0xC0;
	p1 =	slt.s32 s22, $0x6;
	v25 =	vadd.s32 s29, v7;
	v34 =	vld.idx.msk [tilespmem:v20+s15+$0x0], $0xffff  }
0x76: {  	p2 =	slt.s32 s22, $0x7;
	v18 =	vadd.s32 s26, v7;
	s30 =	simm.s32 @!p1 $0xC0;
	p1 =	sgt.s32 s25, $0x6;
	v36 =	vld.idx.msk [tilespmem:v16+s13+$0x0], $0xffff  }
0x77: {  	s29 =	smov.u32 s24;
	s28 =	ssub.s32 s28, s24;
	v19 =	vadd.s32 s30, v4;
	s24 =	simm.s32 @!p1 $0xC0;
	v38 =	vld.idx.msk [tilespmem:v17+s13+$0x0], $0xffff  }
0x78: {  	v21 =	vadd.s32 s30, v7;
	p1 =	sgt.s32 s25, $0x3;
	s24 =	simm.s32 @!p2 $0xC0;
	v22 =	vld.idx.msk [tilespmem:v14+s18+$0x0], $0xffff  }
0x79: {  	v15 =	vbroadcast v9, $0x4;
	(v2sf) =	vpush v10, $0x0;
	s29 =	simm.s32 @!p1 $0xC0;
	p1 =	slt.s32 s22, $0x4;
	v26 =	vadd.s32 s24, v4;
	v40 =	vld.idx.msk [tilespmem:v24+s12+$0x0], $0xffff  }
0x7a: {  	(v2sf) =	vpush v10, $0x1;
	v33 =	vmov s28;
	v27 =	vadd.s32 s24, v7;
	s29 =	simm.s32 @!p1 $0xC0;
	p1 =	sne.s32 s21, $0x1;
	v41 =	vld.idx.msk [tilespmem:v25+s12+$0x0], $0xffff  }
.Ltmp6:
0x7b: {  	(v2sf) =	vpush v10, $0x2;
	s31 =	sadd.s32 $0xFFFFFFF0, s28;
	vm0 =	vgt.s32 v33, v4;
	v33 =	vld.idx.msk [tilespmem:v18+s18+$0x0], $0xffff;
	(pc) =	sbr.rel @!p1 .LBB2_12-.Ltmp6, $4  }
0x7c: {  	v37 =	vmov s31;
	v32 =	vld.idx.msk [tilespmem:v19+s16+$0x0], $0xffff;
	v29 =	vmax.f32 v28, v15;
	v28 =	vadd.s32 s29, v7  }
0x7d: {  	vm1 =	vgt.s32 v37, v4;
	v31 =	vmax.f32 v30, v15;
	v35 =	vld.idx.msk [tilespmem:v21+s16+$0x0], $0xffff;
	v30 =	vadd.s32 s29, v4  }
0x7e: {  	(v2sf) =	vpush v10, $0x3;
	v37 =	vmax.f32 v36, v15;
	v36 =	vld.idx.msk [tilespmem:v26+s17+$0x0], $0xffff  }
0x7f: {  	s23 =	simm.s32 $0x3C82;
	s22 =	simm.s32 $0x3C82;
	s21 =	sadd.s32 $0xFFFFFFFF, s21;
	v39 =	vmax.f32 v38, v15;
	v38 =	vld.idx.msk [tilespmem:v27+s17+$0x0], $0xffff;
	v40 =	vmax.f32 v40, v15;
	v41 =	vmax.f32 v41, v15  }
.LBB2_13:
0x80: {  	_ = 	snop  }
0x81: {  	v42 =	vld.idx.msk [tilespmem:v28+s14+$0x0], $0xffff  }
0x82: {  	v43 =	vld.idx.msk [tilespmem:v30+s14+$0x0], $0xffff;
	[tilespmem:v11+s11+$0x0] =	vst.idx.msk vm0, v29  }
0x83: {  	[tilespmem:v12+s11+$0x0] =	vst.idx.msk vm1, v31  }
0x84: {  	[tilespmem:v24+s12+$0x0] =	vst.idx.msk vm0, v40  }
0x85: {  	[tilespmem:v25+s12+$0x0] =	vst.idx.msk vm1, v41  }
0x86: {  	[tilespmem:v16+s13+$0x0] =	vst.idx.msk vm0, v37  }
0x87: {  	[tilespmem:v17+s13+$0x0] =	vst.idx.msk vm1, v39;
	v12 =	vmax.f32 v43, v15  }
0x88: {  	[tilespmem:v30+s14+$0x0] =	vst.idx.msk vm0, v12;
	v12 =	vmax.f32 v42, v15  }
0x89: {  	v11 =	vmax.f32 v34, v15;
	[tilespmem:v28+s14+$0x0] =	vst.idx.msk vm1, v12  }
0x8a: {  	v12 =	vmax.f32 v23, v15;
	[tilespmem:v20+s15+$0x0] =	vst.idx.msk vm0, v11  }
0x8b: {  	v17 =	vmax.f32 v32, v15;
	[tilespmem:v13+s15+$0x0] =	vst.idx.msk vm1, v12;
	s24 =	spop (v2sf)  }
0x8c: {  	p0 =	sne.s32 s21, $0x1;
	v16 =	vmax.f32 v35, v15;
	[tilespmem:v19+s16+$0x0] =	vst.idx.msk vm0, v17;
	s24 =	smax.f32 s24, s5;
	s25 =	spop (v2sf)  }
0x8d: {  	s0 =	simm.s32 @!p0 $0x0;
	v11 =	vmax.f32 v36, v15;
	[tilespmem:v21+s16+$0x0] =	vst.idx.msk vm1, v16;
	s24 =	scvt.f32.s32 s24;
	s25 =	smin.f32 s25, s6  }
0x8e: {  	s0 =	simm.s32 @p0 $0x1;
	v12 =	vmax.f32 v38, v15;
	[tilespmem:v26+s17+$0x0] =	vst.idx.msk vm0, v11;
	s26 =	spop (v2sf);
	s28 =	scvt.f32.s32 s25  }
0x8f: {  	v11 =	vmax.f32 v22, v15;
	[tilespmem:v27+s17+$0x0] =	vst.idx.msk vm1, v12;
	s30 =	spop (v2sf);
	s25 =	ssub.s32 s24, s4;
	s24 =	scvt.f32.s32 s26  }
0x90: {  	[smem:$0x7FD] =	sst s0;
	v12 =	vmax.f32 v33, v15;
	[tilespmem:v14+s18+$0x0] =	vst.idx.msk vm0, v11;
	s29 =	scvt.f32.s32 s30;
	s28 =	ssub.s32 s28, s4  }
0x91: {  	[tilespmem:v18+s18+$0x0] =	vst.idx.msk vm1, v12;
	p1 =	slt.s32 s25, $0x1;
	p4 =	sgt.s32 s28, $0x0;
	s30 =	smov.u32 s24  }
0x92: {  	p6 =	slt.s32 s25, $0x3;
	p2 =	slt.s32 s25, $0x5;
	v14 =	vld.msk [tilespmem:s23+$0x0 ss:$0x0], $0xffff;
	s30 =	simm.s32 @!p4 $0xC0  }
0x93: {  	s23 =	smov.u32 s24;
	p4 =	sgt.s32 s28, $0x4;
	s30 =	simm.s32 @!p1 $0xC0  }
0x94: {  	p3 =	sgt.s32 s28, $0x1;
	p5 =	sgt.s32 s28, $0x5;
	s23 =	simm.s32 @!p4 $0xC0;
	v11 =	vadd.s32 s30, v4  }
0x95: {  	p0 =	sgt.s32 s28, $0x2;
	s0 =	smov.u32 s24;
	v12 =	vadd.s32 s30, v7;
	s23 =	simm.s32 @!p2 $0xC0  }
0x96: {  	s26 =	smov.u32 s24;
	p1 =	sgt.s32 s28, $0x3;
	s30 =	smov.u32 s24;
	v13 =	vadd.s32 s23, v7  }
0x97: {  	s0 =	simm.s32 @!p1 $0xC0;
	p1 =	sgt.s32 s28, $0x6;
	s30 =	simm.s32 @!p0 $0xC0;
	v18 =	vadd.s32 v6, v14  }
0x98: {  	p0 =	sgt.s32 s28, $0x7;
	s28 =	smov.u32 s24;
	v20 =	vadd.s32 s23, v4;
	s30 =	simm.s32 @!p6 $0xC0  }
0x99: {  	s26 =	simm.s32 @!p3 $0xC0;
	s28 =	simm.s32 @!p0 $0xC0;
	p0 =	slt.s32 s25, $0x2;
	v16 =	vadd.s32 s30, v4;
	v22 =	vld.idx.msk [tilespmem:v11+s11+$0x0], $0xffff  }
0x9a: {  	s31 =	smov.u32 s24;
	s26 =	simm.s32 @!p0 $0xC0;
	v17 =	vadd.s32 s30, v7;
	v26 =	vld.idx.msk [tilespmem:v12+s11+$0x0], $0xffff  }
0x9b: {  	s31 =	simm.s32 @!p5 $0xC0;
	p2 =	slt.s32 s25, $0x8;
	s30 =	smov.u32 s24;
	v24 =	vadd.s32 s26, v4;
	v23 =	vld.idx.msk [tilespmem:v13+s15+$0x0], $0xffff  }
0x9c: {  	v15 =	vbroadcast v10, $0x4;
	s28 =	simm.s32 @!p2 $0xC0;
	s30 =	simm.s32 @!p1 $0xC0;
	p1 =	slt.s32 s25, $0x6;
	v25 =	vadd.s32 s26, v7;
	v10 =	vld.idx.msk [tilespmem:v18+s3+$0x0], $0xffff  }
0x9d: {  	v14 =	vadd.s32 s28, v4;
	s31 =	simm.s32 @!p1 $0xC0;
	v34 =	vld.idx.msk [tilespmem:v20+s15+$0x0], $0xffff  }
0x9e: {  	v19 =	vadd.s32 s31, v4;
	v61 =	vld.idx.msk [tilespmem:v16+s13+$0x0], $0xffff  }
0x9f: {  	p0 =	slt.s32 s25, $0x7;
	v21 =	vadd.s32 s31, v7;
	s31 =	sld [smem:$0x7FD];
	v62 =	vld.idx.msk [tilespmem:v17+s13+$0x0], $0xffff  }
0xa0: {  	s24 =	ssub.s32 s29, s24;
	s30 =	simm.s32 @!p0 $0xC0;
	v18 =	vadd.s32 s28, v7;
	v63 =	vld.idx.msk [tilespmem:v24+s12+$0x0], $0xffff  }
0xa1: {  	v28 =	vmov s24;
	v27 =	vadd.s32 s30, v7;
	v41 =	vld.idx.msk [tilespmem:v25+s12+$0x0], $0xffff  }
0xa2: {  	p4 =	slt.s32 s25, $0x4;
	s24 =	sadd.s32 $0xFFFFFFF0, s24;
	p0 =	seq.s32 s31, $0x1;
	v29 =	vmax.f32 v22, v15;
	v22 =	vld.idx.msk [tilespmem:v14+s18+$0x0], $0xffff;
	v31 =	vmax.f32 v26, v15;
	v26 =	vadd.s32 s30, v4  }
.Ltmp7:
0xa3: {  	s0 =	simm.s32 @!p4 $0xC0;
	v30 =	vmov s24;
	v32 =	vld.idx.msk [tilespmem:v19+s16+$0x0], $0xffff;
	(pc) =	sbr.rel @p0 .LBB2_13-.Ltmp7, $4  }
0xa4: {  	vm0 =	vgt.s32 v28, v4;
	v28 =	vadd.s32 s0, v7;
	(v2sf) =	vpush v10, $0x0;
	v35 =	vld.idx.msk [tilespmem:v21+s16+$0x0], $0xffff  }
0xa5: {  	vm1 =	vgt.s32 v30, v4;
	v30 =	vadd.s32 s0, v4;
	v33 =	vld.idx.msk [tilespmem:v18+s18+$0x0], $0xffff;
	(v2sf) =	vpush v10, $0x1  }
0xa6: {  	s22 =	sadd.s32 $0x1, s22;
	v38 =	vld.idx.msk [tilespmem:v27+s17+$0x0], $0xffff;
	v37 =	vmax.f32 v61, v15;
	(v2sf) =	vpush v10, $0x2;
	v39 =	vmax.f32 v62, v15  }
0xa7: {  	s21 =	sadd.s32 $0xFFFFFFFF, s21;
	s23 =	smov.u32 s22;
	(v2sf) =	vpush v10, $0x3;
	v40 =	vmax.f32 v63, v15;
	v41 =	vmax.f32 v41, v15;
	v36 =	vld.idx.msk [tilespmem:v26+s17+$0x0], $0xffff  }
0xa8: {  	p2 =	por $0x1, $0x1;
	p0 =	por $0x1, $0x1  }
.LBB2_15:
0xa9: {  	_ =	sdelay $0x3  }
0xaa: {  	v42 =	vld.idx.msk @p0 [tilespmem:v28+s14+$0x0], $0xffff  }
0xab: {  	v43 =	vld.idx.msk @p0 [tilespmem:v30+s14+$0x0], $0xffff;
	[tilespmem:v11+s11+$0x0] =	vst.idx.msk @p0 vm0, v29  }
0xac: {  	[tilespmem:v12+s11+$0x0] =	vst.idx.msk @p0 vm1, v31  }
0xad: {  	[tilespmem:v24+s12+$0x0] =	vst.idx.msk @p0 vm0, v40  }
0xae: {  	[tilespmem:v25+s12+$0x0] =	vst.idx.msk @p0 vm1, v41  }
0xaf: {  	[tilespmem:v16+s13+$0x0] =	vst.idx.msk @p0 vm0, v37  }
0xb0: {  	[tilespmem:v17+s13+$0x0] =	vst.idx.msk @p0 vm1, v39;
	v11 =	vmax.f32 @p0 v43, v15  }
0xb1: {  	[tilespmem:v30+s14+$0x0] =	vst.idx.msk @p0 vm0, v11;
	v11 =	vmax.f32 @p0 v42, v15  }
0xb2: {  	v12 =	vmax.f32 @p0 v34, v15;
	[tilespmem:v28+s14+$0x0] =	vst.idx.msk @p0 vm1, v11  }
0xb3: {  	v11 =	vmax.f32 @p0 v23, v15;
	[tilespmem:v20+s15+$0x0] =	vst.idx.msk @p0 vm0, v12  }
0xb4: {  	v12 =	vmax.f32 @p0 v32, v15;
	[tilespmem:v13+s15+$0x0] =	vst.idx.msk @p0 vm1, v11  }
0xb5: {  	v11 =	vmax.f32 @p0 v35, v15;
	[tilespmem:v19+s16+$0x0] =	vst.idx.msk @p0 vm0, v12  }
0xb6: {  	v12 =	vmax.f32 @p0 v36, v15;
	s0 =	spop @p2 (v2sf);
	[tilespmem:v21+s16+$0x0] =	vst.idx.msk @p0 vm1, v11  }
0xb7: {  	v11 =	vmax.f32 @p0 v38, v15;
	s21 =	spop @p2 (v2sf);
	[tilespmem:v26+s17+$0x0] =	vst.idx.msk @p0 vm0, v12  }
0xb8: {  	s0 =	smax.f32 @p2 s0, s5;
	s21 =	smin.f32 @p2 s21, s6;
	[tilespmem:v27+s17+$0x0] =	vst.idx.msk @p0 vm1, v11;
	v11 =	vmax.f32 @p0 v22, v15  }
0xb9: {  	v12 =	vmax.f32 @p0 v33, v15;
	s22 =	scvt.f32.s32 @p2 s21;
	s21 =	spop @p2 (v2sf);
	[tilespmem:v14+s18+$0x0] =	vst.idx.msk @p0 vm0, v11  }
0xba: {  	s0 =	scvt.f32.s32 @p2 s0;
	s21 =	scvt.f32.s32 @p2 s21;
	[tilespmem:v18+s18+$0x0] =	vst.idx.msk @p0 vm1, v12  }
0xbb: {  	v11 =	vld.msk @p2 [tilespmem:s23+$0x0 ss:$0x0], $0xffff;
	s23 =	ssub.s32 @p2 s22, s4  }
0xbc: {  	s22 =	ssub.s32 @p2 s0, s4;
	s0 =	spop @p2 (v2sf);
	s24 =	smov.u32 s21  }
0xbd: {  	s25 =	smov.u32 s21;
	s26 =	smov.u32 s21;
	s28 =	smov.u32 s21  }
0xbe: {  	p0 =	sgt.s32 @p2 s23, $0x0;
	p1 =	slt.s32 @p2 s22, $0x1;
	s0 =	scvt.f32.s32 @p2 s0  }
0xbf: {  	s29 =	smov.u32 s21;
	p0 =	por !p0, !p2;
	p1 =	por !p1, !p2  }
0xc0: {  	s24 =	simm.s32 @p0 $0xC0;
	p0 =	sgt.s32 @p2 s23, $0x4;
	s0 =	ssub.s32 @p2 s0, s21;
	v11 =	vadd.s32 @p2 v6, v11  }
0xc1: {  	s24 =	simm.s32 @p1 $0xC0;
	p1 =	slt.s32 @p2 s22, $0x5;
	p0 =	por !p0, !p2  }
0xc2: {  	s25 =	simm.s32 @p0 $0xC0;
	p0 =	sgt.s32 @p2 s23, $0x2;
	p1 =	por !p1, !p2  }
0xc3: {  	s25 =	simm.s32 @p1 $0xC0;
	p1 =	slt.s32 @p2 s22, $0x3;
	p0 =	por !p0, !p2  }
0xc4: {  	v12 =	vadd.s32 @p2 s24, v4;
	s26 =	simm.s32 @p0 $0xC0;
	p0 =	sgt.s32 @p2 s23, $0x7;
	p1 =	por !p1, !p2  }
0xc5: {  	v13 =	vadd.s32 @p2 s24, v7;
	s24 =	smov.u32 s21;
	s26 =	simm.s32 @p1 $0xC0;
	p0 =	por !p0, !p2;
	v11 =	vld.idx.msk @p2 [tilespmem:v11+s3+$0x0], $0xffff  }
0xc6: {  	v14 =	vadd.s32 @p2 s25, v7;
	p1 =	slt.s32 @p2 s22, $0x8;
	s24 =	simm.s32 @p0 $0xC0;
	p0 =	sgt.s32 @p2 s23, $0x1  }
0xc7: {  	v28 =	vmov @p2 s0;
	s0 =	sadd.s32 @p2 $0xFFFFFFF0, s0;
	v24 =	vadd.s32 @p2 s25, v4;
	p1 =	por !p1, !p2;
	p0 =	por !p0, !p2  }
0xc8: {  	v15 =	vadd.s32 @p2 s26, v4;
	v18 =	vadd.s32 @p2 s26, v7;
	s26 =	smov.u32 s21;
	s28 =	simm.s32 @p0 $0xC0;
	p0 =	sgt.s32 @p2 s23, $0x5  }
0xc9: {  	s24 =	simm.s32 @p1 $0xC0;
	p1 =	slt.s32 @p2 s22, $0x2;
	v17 =	vld.idx.msk @p2 [tilespmem:v12+s11+$0x0], $0xffff;
	p0 =	por !p0, !p2  }
0xca: {  	v19 =	vld.idx.msk @p2 [tilespmem:v13+s11+$0x0], $0xffff;
	p1 =	por !p1, !p2;
	v16 =	vadd.s32 @p2 s24, v4;
	s29 =	simm.s32 @p0 $0xC0;
	p0 =	sgt.s32 @p2 s23, $0x3;
	v9 =	vpsel p2, v11, v9  }
0xcb: {  	v29 =	vadd.s32 @p2 s24, v7;
	s28 =	simm.s32 @p1 $0xC0;
	p1 =	slt.s32 @p2 s22, $0x6;
	v21 =	vld.idx.msk @p2 [tilespmem:v14+s15+$0x0], $0xffff;
	p0 =	por !p0, !p2;
	(v2sf) =	vpush v9, $0x0  }
0xcc: {  	vm0 =	vgt.s32 @p2 v28, v4;
	v28 =	vld.idx.msk @p2 [tilespmem:v24+s15+$0x0], $0xffff;
	p1 =	por !p1, !p2;
	v20 =	vadd.s32 @p2 s28, v4;
	s26 =	simm.s32 @p0 $0xC0;
	p0 =	sgt.s32 @p2 s23, $0x6;
	(v2sf) =	vpush v9, $0x1  }
0xcd: {  	v22 =	vadd.s32 @p2 s28, v7;
	s29 =	simm.s32 @p1 $0xC0;
	v23 =	vld.idx.msk @p2 [tilespmem:v15+s13+$0x0], $0xffff;
	p1 =	slt.s32 @p2 s22, $0x7;
	p0 =	por !p0, !p2  }
0xce: {  	v31 =	vmov @p2 s0;
	v27 =	vld.idx.msk @p2 [tilespmem:v18+s13+$0x0], $0xffff;
	v11 =	vadd.s32 @p2 s29, v4;
	p1 =	por !p1, !p2;
	s21 =	simm.s32 @p0 $0xC0;
	p0 =	slt.s32 @p2 s22, $0x4;
	(v2sf) =	vpush v9, $0x2  }
0xcf: {  	v10 =	vbroadcast @p2 v10, $0x4;
	vm1 =	vgt.s32 @p2 v31, v4;
	v26 =	vadd.s32 @p2 s29, v7;
	v25 =	vld.idx.msk @p2 [tilespmem:v16+s18+$0x0], $0xffff;
	s21 =	simm.s32 @p1 $0xC0;
	p0 =	por !p0, !p2  }
0xd0: {  	vm0 =	vmmov @p2 vm0;
	vm1 =	vmmov @p2 vm1;
	v38 =	vld.idx.msk @p2 [tilespmem:v29+s18+$0x0], $0xffff;
	s26 =	simm.s32 @p0 $0xC0;
	v32 =	vadd.s32 @p2 s21, v4  }
0xd1: {  	v12 =	vpsel p2, v12, v0;
	v30 =	vld.idx.msk @p2 [tilespmem:v20+s12+$0x0], $0xffff;
	v34 =	vadd.s32 @p2 s21, v7;
	v36 =	vadd.s32 @p2 s26, v7  }
0xd2: {  	v13 =	vpsel p2, v13, v0;
	v33 =	vld.idx.msk @p2 [tilespmem:v22+s12+$0x0], $0xffff;
	v37 =	vadd.s32 @p2 s26, v4;
	v36 =	vpsel p2, v36, v0  }
0xd3: {  	v14 =	vpsel p2, v14, v0;
	v15 =	vpsel p2, v15, v0;
	v35 =	vld.idx.msk @p2 [tilespmem:v11+s16+$0x0], $0xffff;
	v37 =	vpsel p2, v37, v0  }
0xd4: {  	v18 =	vpsel p2, v18, v0;
	v17 =	vmax.f32 @p2 v17, v10;
	v19 =	vmax.f32 @p2 v19, v10;
	v31 =	vld.idx.msk @p2 [tilespmem:v26+s16+$0x0], $0xffff  }
0xd5: {  	v17 =	vpsel p2, v17, v0;
	v19 =	vpsel p2, v19, v0;
	v20 =	vpsel p2, v20, v0;
	v39 =	vld.idx.msk @p2 [tilespmem:v32+s17+$0x0], $0xffff  }
0xd6: {  	v16 =	vpsel p2, v16, v0;
	v28 =	vpsel p2, v28, v0;
	v22 =	vpsel p2, v22, v0;
	v40 =	vld.idx.msk @p2 [tilespmem:v34+s17+$0x0], $0xffff  }
0xd7: {  	v23 =	vmax.f32 @p2 v23, v10;
	v27 =	vmax.f32 @p2 v27, v10;
	v11 =	vpsel p2, v11, v0;
	v41 =	vld.idx.msk @p2 [tilespmem:v36+s14+$0x0], $0xffff  }
0xd8: {  	v30 =	vmax.f32 @p2 v30, v10;
	v33 =	vmax.f32 @p2 v33, v10;
	v42 =	vld.idx.msk @p2 [tilespmem:v37+s14+$0x0], $0xffff;
	[tilespmem:v12+s11+$0x0] =	vst.idx.msk @p2 vm0, v17  }
0xd9: {  	v10 =	vpsel p2, v10, v0;
	v30 =	vpsel p2, v30, v0;
	[tilespmem:v13+s11+$0x0] =	vst.idx.msk @p2 vm1, v19  }
0xda: {  	(v2sf) =	vpush v9, $0x3;
	v33 =	vpsel p2, v33, v0;
	v12 =	vpsel p2, v23, v0;
	[tilespmem:v20+s12+$0x0] =	vst.idx.msk @p2 vm0, v30;
	s28 =	spop (v2sf)  }
0xdb: {  	v19 =	vpsel p2, v21, v0;
	v21 =	vpsel p2, v24, v0;
	[tilespmem:v22+s12+$0x0] =	vst.idx.msk @p2 vm1, v33;
	s29 =	spop (v2sf)  }
0xdc: {  	v17 =	vpsel p2, v27, v0;
	v13 =	vpsel p2, v31, v0;
	[tilespmem:v15+s13+$0x0] =	vst.idx.msk @p2 vm0, v12;
	s0 =	smax.f32 s28, s5;
	s21 =	smin.f32 s29, s6  }
0xdd: {  	v20 =	vpsel p2, v35, v0;
	[tilespmem:v18+s13+$0x0] =	vst.idx.msk @p2 vm1, v17;
	v15 =	vmax.f32 @p2 v42, v10;
	s31 =	spop (v2sf);
	s30 =	scvt.f32.s32 s21  }
0xde: {  	v17 =	vpsel p2, v26, v0;
	[tilespmem:v37+s14+$0x0] =	vst.idx.msk @p2 vm0, v15;
	v15 =	vmax.f32 @p2 v41, v10;
	s0 =	scvt.f32.s32 s0;
	s21 =	scvt.f32.s32 s31  }
0xdf: {  	v22 =	vmax.f32 @p2 v28, v10;
	v18 =	vpsel p2, v32, v0;
	[tilespmem:v36+s14+$0x0] =	vst.idx.msk @p2 vm1, v15;
	s22 =	ssub.s32 s30, s4  }
0xe0: {  	v19 =	vmax.f32 @p2 v19, v10;
	v15 =	vpsel p2, v34, v0;
	[tilespmem:v21+s15+$0x0] =	vst.idx.msk @p2 vm0, v22;
	s29 =	ssub.s32 s0, s4;
	s0 =	smov.u32 s21;
	p0 =	sgt.s32 s22, $0x0  }
0xe1: {  	v13 =	vmax.f32 @p2 v13, v10;
	v20 =	vmax.f32 @p2 v20, v10;
	[tilespmem:v14+s15+$0x0] =	vst.idx.msk @p2 vm1, v19;
	p1 =	slt.s32 s29, $0x1;
	s0 =	simm.s32 @!p0 $0xC0  }
0xe2: {  	v12 =	vpsel p2, v39, v0;
	v14 =	vpsel p2, v29, v0;
	s24 =	smov.u32 s21;
	[tilespmem:v11+s16+$0x0] =	vst.idx.msk @p2 vm0, v20;
	p0 =	sgt.s32 s22, $0x4;
	s0 =	simm.s32 @!p1 $0xC0  }
0xe3: {  	v12 =	vmax.f32 @p2 v12, v10;
	v11 =	vpsel p2, v40, v0;
	[tilespmem:v17+s16+$0x0] =	vst.idx.msk @p2 vm1, v13;
	p1 =	slt.s32 s29, $0x5;
	s24 =	simm.s32 @!p0 $0xC0;
	v57 =	vadd.s32 s0, v4  }
0xe4: {  	s25 =	smov.u32 s21;
	v17 =	vpsel p2, v25, v0;
	v11 =	vmax.f32 @p2 v11, v10;
	[tilespmem:v18+s17+$0x0] =	vst.idx.msk @p2 vm0, v12;
	p0 =	sgt.s32 s22, $0x2;
	s24 =	simm.s32 @!p1 $0xC0;
	v58 =	vadd.s32 s0, v7  }
0xe5: {  	v18 =	vpsel p2, v38, v0;
	[tilespmem:v15+s17+$0x0] =	vst.idx.msk @p2 vm1, v11;
	v11 =	vmax.f32 @p2 v17, v10;
	p1 =	slt.s32 s29, $0x3;
	s25 =	simm.s32 @!p0 $0xC0;
	v15 =	vadd.s32 s24, v7  }
0xe6: {  	v10 =	vmax.f32 @p2 v18, v10;
	p0 =	sgt.s32 s22, $0x7;
	s0 =	smov.u32 s21;
	[tilespmem:v16+s18+$0x0] =	vst.idx.msk @p2 vm0, v11;
	s25 =	simm.s32 @!p1 $0xC0;
	v23 =	vadd.s32 s24, v4  }
0xe7: {  	s26 =	smov.u32 s21;
	s0 =	simm.s32 @!p0 $0xC0;
	p0 =	slt.s32 s29, $0x8;
	[tilespmem:v14+s18+$0x0] =	vst.idx.msk @p2 vm1, v10;
	v11 =	vadd.s32 s25, v4  }
0xe8: {  	s28 =	smov.u32 s21;
	s0 =	simm.s32 @!p0 $0xC0;
	p0 =	sgt.s32 s22, $0x1;
	v16 =	vadd.s32 s25, v7;
	v14 =	vld.idx.msk [tilespmem:v57+s11+$0x0], $0xffff  }
0xe9: {  	s30 =	spop (v2sf);
	s26 =	simm.s32 @!p0 $0xC0;
	p0 =	slt.s32 s29, $0x2;
	v10 =	vadd.s32 s0, v4;
	v59 =	vld.idx.msk [tilespmem:v58+s11+$0x0], $0xffff  }
0xea: {  	s25 =	scvt.f32.s32 s30;
	v27 =	vadd.s32 s0, v7;
	s26 =	simm.s32 @!p0 $0xC0;
	p0 =	sgt.s32 s22, $0x5;
	v19 =	vld.idx.msk [tilespmem:v15+s15+$0x0], $0xffff  }
0xeb: {  	s28 =	simm.s32 @!p0 $0xC0;
	p0 =	slt.s32 s29, $0x6;
	v60 =	vadd.s32 s26, v4;
	v49 =	vld.idx.msk [tilespmem:v23+s15+$0x0], $0xffff  }
0xec: {  	s25 =	ssub.s32 s25, s21;
	v61 =	vadd.s32 s26, v7;
	s28 =	simm.s32 @!p0 $0xC0;
	p0 =	sgt.s32 s22, $0x6;
	v22 =	vld.idx.msk [tilespmem:v11+s13+$0x0], $0xffff  }
0xed: {  	s26 =	smov.u32 s21;
	v21 =	vadd.s32 s28, v4;
	s21 =	simm.s32 @!p0 $0xC0;
	p0 =	slt.s32 s29, $0x7;
	v62 =	vld.idx.msk [tilespmem:v16+s13+$0x0], $0xffff  }
0xee: {  	v25 =	vadd.s32 s28, v7;
	v24 =	vld.idx.msk [tilespmem:v10+s18+$0x0], $0xffff;
	s21 =	simm.s32 @!p0 $0xC0;
	p0 =	sgt.s32 s22, $0x3  }
0xef: {  	v52 =	vld.idx.msk [tilespmem:v27+s18+$0x0], $0xffff;
	s26 =	simm.s32 @!p0 $0xC0;
	p0 =	slt.s32 s29, $0x4;
	v44 =	vadd.s32 s21, v4  }
0xf0: {  	v47 =	vmov s25;
	s31 =	sadd.s32 $0xFFFFFFF0, s25;
	v45 =	vadd.s32 s21, v7;
	v63 =	vld.idx.msk [tilespmem:v60+s12+$0x0], $0xffff;
	s26 =	simm.s32 @!p0 $0xC0  }
0xf1: {  	v50 =	vmov s31;
	vm14 =	vgt.s32 v47, v4;
	v30 =	vld.idx.msk [tilespmem:v61+s12+$0x0], $0xffff;
	v48 =	vadd.s32 s26, v7  }
0xf2: {  	vm15 =	vgt.s32 v50, v4;
	v51 =	vadd.s32 s26, v4;
	v46 =	vld.idx.msk [tilespmem:v21+s16+$0x0], $0xffff  }
0xf3: {  	v37 =	vld.idx.msk [tilespmem:v25+s16+$0x0], $0xffff  }
0xf4: {  	v9 =	vbroadcast v9, $0x4;
	v53 =	vld.idx.msk [tilespmem:v44+s17+$0x0], $0xffff  }
0xf5: {  	v54 =	vld.idx.msk [tilespmem:v45+s17+$0x0], $0xffff  }
0xf6: {  	v14 =	vmax.f32 v14, v9;
	v55 =	vld.idx.msk [tilespmem:v48+s14+$0x0], $0xffff  }
0xf7: {  	v17 =	vmax.f32 v59, v9;
	v56 =	vld.idx.msk [tilespmem:v51+s14+$0x0], $0xffff;
	[tilespmem:v57+s11+$0x0] =	vst.idx.msk vm14, v14  }
0xf8: {  	v57 =	vmax.f32 v63, v9;
	[tilespmem:v58+s11+$0x0] =	vst.idx.msk vm15, v17  }
0xf9: {  	v58 =	vmax.f32 v30, v9;
	[tilespmem:v60+s12+$0x0] =	vst.idx.msk vm14, v57  }
0xfa: {  	v59 =	vmax.f32 v22, v9;
	[tilespmem:v61+s12+$0x0] =	vst.idx.msk vm15, v58  }
0xfb: {  	v60 =	vmax.f32 v62, v9;
	[tilespmem:v11+s13+$0x0] =	vst.idx.msk vm14, v59  }
0xfc: {  	[tilespmem:v16+s13+$0x0] =	vst.idx.msk vm15, v60;
	v11 =	vmax.f32 v56, v9  }
0xfd: {  	[tilespmem:v51+s14+$0x0] =	vst.idx.msk vm14, v11;
	v11 =	vmax.f32 v55, v9  }
0xfe: {  	v61 =	vmax.f32 v49, v9;
	[tilespmem:v48+s14+$0x0] =	vst.idx.msk vm15, v11  }
0xff: {  	v11 =	vmax.f32 v19, v9;
	[tilespmem:v23+s15+$0x0] =	vst.idx.msk vm14, v61  }
0x100: {  	v62 =	vmax.f32 v46, v9;
	[tilespmem:v15+s15+$0x0] =	vst.idx.msk vm15, v11  }
0x101: {  	v11 =	vmax.f32 v37, v9;
	[tilespmem:v21+s16+$0x0] =	vst.idx.msk vm14, v62  }
0x102: {  	v63 =	vmax.f32 v53, v9;
	[tilespmem:v25+s16+$0x0] =	vst.idx.msk vm15, v11  }
0x103: {  	v11 =	vmax.f32 v54, v9;
	[tilespmem:v44+s17+$0x0] =	vst.idx.msk vm14, v63  }
0x104: {  	[tilespmem:v45+s17+$0x0] =	vst.idx.msk vm15, v11;
	v11 =	vmax.f32 v24, v9  }
0x105: {  	v9 =	vmax.f32 v52, v9;
	[tilespmem:v10+s18+$0x0] =	vst.idx.msk vm14, v11  }
0x106: {  	[tilespmem:v27+s18+$0x0] =	vst.idx.msk vm15, v9  }
.LBB2_16:
0x107: {  	s21 =	simm.s32 $0x0  }
0x108: {  	v9 =	vor.u32 s21, v8;
	_ =	sdelay $0x4  }
0x109: {  	v10 =	vld.idx.msk [tilespmem:v9+s11+$0x0], $0xffff;
	_ =	sdelay $0x3  }
0x10a: {  	s22 =	simm.s32 $0x4900  }
0x10b: {  	s23 =	sand.u32 $0x1F0, s21;
	[tilespmem:s22+$0x0] =	vst v10  }
0x10c: {  	[tilespmem:s23+$0x4A80] =	vst v10  }
0x10d: {  	v10 =	vld.idx.msk [tilespmem:v9+s12+$0x0], $0xffff;
	_ =	sdelay $0x4  }
0x10e: {  	[tilespmem:s23+$0x4C00] =	vst v10  }
0x10f: {  	[tilespmem:s23+$0x4D80] =	vst v10  }
0x110: {  	v10 =	vld.idx.msk [tilespmem:v9+s13+$0x0], $0xffff;
	_ =	sdelay $0x4  }
0x111: {  	[tilespmem:s23+$0x4F00] =	vst v10  }
0x112: {  	[tilespmem:s23+$0x5080] =	vst v10  }
0x113: {  	v10 =	vld.idx.msk [tilespmem:v9+s14+$0x0], $0xffff;
	_ =	sdelay $0x4  }
0x114: {  	[tilespmem:s23+$0x5200] =	vst v10  }
0x115: {  	[tilespmem:s23+$0x5380] =	vst v10  }
0x116: {  	v10 =	vld.idx.msk [tilespmem:v9+s15+$0x0], $0xffff;
	_ =	sdelay $0x4  }
0x117: {  	[tilespmem:s23+$0x5500] =	vst v10  }
0x118: {  	[tilespmem:s23+$0x5680] =	vst v10  }
0x119: {  	v10 =	vld.idx.msk [tilespmem:v9+s16+$0x0], $0xffff;
	_ =	sdelay $0x4  }
0x11a: {  	[tilespmem:s23+$0x5800] =	vst v10  }
0x11b: {  	[tilespmem:s23+$0x5980] =	vst v10  }
0x11c: {  	v10 =	vld.idx.msk [tilespmem:v9+s17+$0x0], $0xffff;
	_ =	sdelay $0x4  }
0x11d: {  	[tilespmem:s23+$0x5B00] =	vst v10  }
0x11e: {  	s24 =	simm.s32 $0x8;
	[tilespmem:s23+$0x5C80] =	vst v10  }
.LBB2_17:
0x11f: {  	p0 =	sne.s32 s24, $0xB8;
	v10 =	vld.idx.msk [tilespmem:v9+s18+$0x0], $0xffff;
	s21 =	sadd.s32 $0x10, s21;
	s22 =	sadd.s32 $0x10, s22  }
0x120: {  	s0 =	smov.u32 s24;
	s24 =	sadd.s32 $0x8, s24;
	_ =	sdelay $0x1  }
0x121: {  	v9 =	vor.u32 s0, v8;
	_ =	sdelay $0x2  }
0x122: {  	[tilespmem:s23+$0x5E00] =	vst v10  }
0x123: {  	[tilespmem:s23+$0x5F80] =	vst v10  }
0x124: {  	v10 =	vld.idx.msk [tilespmem:v9+s11+$0x0], $0xffff;
	_ =	sdelay $0x5  }
0x125: {  	s23 =	sand.u32 $0x1F0, s21;
	[tilespmem:s22+$0x0] =	vst v10  }
0x126: {  	[tilespmem:s23+$0x4A80] =	vst v10  }
0x127: {  	v10 =	vld.idx.msk [tilespmem:v9+s12+$0x0], $0xffff;
	_ =	sdelay $0x5  }
0x128: {  	[tilespmem:s23+$0x4C00] =	vst v10  }
0x129: {  	[tilespmem:s23+$0x4D80] =	vst v10  }
0x12a: {  	v10 =	vld.idx.msk [tilespmem:v9+s13+$0x0], $0xffff;
	_ =	sdelay $0x5  }
0x12b: {  	[tilespmem:s23+$0x4F00] =	vst v10  }
0x12c: {  	[tilespmem:s23+$0x5080] =	vst v10  }
0x12d: {  	v10 =	vld.idx.msk [tilespmem:v9+s14+$0x0], $0xffff;
	_ =	sdelay $0x5  }
0x12e: {  	[tilespmem:s23+$0x5200] =	vst v10  }
0x12f: {  	[tilespmem:s23+$0x5380] =	vst v10  }
0x130: {  	v10 =	vld.idx.msk [tilespmem:v9+s15+$0x0], $0xffff;
	_ =	sdelay $0x5  }
0x131: {  	[tilespmem:s23+$0x5500] =	vst v10  }
0x132: {  	[tilespmem:s23+$0x5680] =	vst v10  }
0x133: {  	v10 =	vld.idx.msk [tilespmem:v9+s16+$0x0], $0xffff;
	_ =	sdelay $0x5  }
0x134: {  	[tilespmem:s23+$0x5800] =	vst v10  }
0x135: {  	[tilespmem:s23+$0x5980] =	vst v10  }
0x136: {  	v10 =	vld.idx.msk [tilespmem:v9+s17+$0x0], $0xffff;
	_ =	sdelay $0x2  }
.Ltmp8:
0x137: {  	(pc) =	sbr.rel @p0 .LBB2_17-.Ltmp8, $3  }
0x138: {  	_ =	sdelay $0x1  }
0x139: {  	[tilespmem:s23+$0x5B00] =	vst v10  }
0x13a: {  	[tilespmem:s23+$0x5C80] =	vst v10  }
0x13b: {  	_ =	sdelay $0x3  }
0x13c: {  	v9 =	vld.idx.msk [tilespmem:v9+s18+$0x0], $0xffff;
	_ =	sdelay $0x4  }
0x13d: {  	s20 =	sadd.s32 $0x1, s20;
	[tilespmem:s23+$0x5E00] =	vst v9  }
0x13e: {  	p0 =	sne.s32 s20, s8;
	[tilespmem:s23+$0x5F80] =	vst v9  }
0x13f: {  	[hbm4b:s7+s3] =	stream.linear.scatter [tilespmem:s19], [sflag:$0x1], $0x1800, $0x38;
	[tilespmem:$0x6900] =	vst v63  }
.Ltmp9:
0x140: {  	_ = 	snop;
	(pc) =	sbr.rel @p0 .LBB2_2-.Ltmp9, $4  }
.Ltmp10:
0x141: {  	_ = 	snop;
	(pc) =	sbr.rel @!p0 .LBB2_19-.Ltmp10, $4  }
0x142: {  	_ =	swait.ge [sflag:s9], $0x1800  }
0x143: {  	[sflag:s9] =	ssyncset.done $0x0  }
0x144: {  	[sflag:s9] =	ssyncadd.s32 $0xFFFFE800  }
0x145: {  	_ = 	snop  }
.LBB2_8:
.Ltmp11:
0x146: {  	_ = 	snop;
	(pc) =	sbr.rel .LBB2_15-.Ltmp11, $2  }
0x147: {  	_ =	sdelay $0x2  }
0x148: {  	v10 =	vmov v9  }
.LBB2_10:
.Ltmp12:
0x149: {  	(pc) =	sbr.rel .LBB2_15-.Ltmp12, $2  }
0x14a: {  	_ =	sdelay $0x2  }
0x14b: {  	v10 =	vmov v9  }
.LBB2_12:
.Ltmp13:
0x14c: {  	(pc) =	sbr.rel .LBB2_15-.Ltmp13, $2  }
0x14d: {  	_ =	sdelay $0x2  }
0x14e: {  	s23 =	simm.s32 $0x3C82;
	p2 =	por $0x1, $0x1;
	p0 =	por $0x1, $0x1  }
.LBB2_19:
0x14f: {  	_ =	sfence.sel $0x180000  }
0x150: {  	[bflag:$0x0] =	sbarrier.arrive $0xFFFF  }
0x151: {  	_ =	strace $0x90000047  }
0x152: {  	[bflag:$0x2] =	sbarrier.arrive $0xFFFF  }
0x153: {  	p0 =	sne.s32 s1, $0x0;
	s0 =	rddreg [dreg:$0x2]  }
0x154: {  	s0 =	sadd.s32 @!p0 $0x100000, s0  }
0x155: {  	[sflag:s0] =	ssyncadd.tile.s32 @!p0 $0x1;
	_ =	shalt  }
.Lfunc_end2:
_tile_overlayer_lowered:
.L_overlay_start_2:
0x156: {  	(tag) =	ssettag $0x2  }
0x157: {  	s0 =	rddreg [dreg:$0x0];
	s2 =	stileid.u32  }
0x158: {  	s1 =	rddreg [dreg:$0x1];
	p0 =	sne.s32 s2, $0x0  }
0x159: {  	s3 =	rddreg [dreg:$0x2];
	[bflag:$0x3] =	sbarrier.arrive $0xFFFF;
	s2 =	simm.s32 @!p0 $0x1C01  }
0x15a: {  	[timem:s3], [sflag:s2] =	dma.local @!p0 [hbm:s0], s1  }
0x15b: {  	s0 =	simm.s32 @!p0 $0x1  }
0x15c: {  	_ =	swait.ge @!p0 [sflag:s0], s1  }
0x15d: {  	s1 =	ssub.s32 @!p0 $0x0, s1;
	[sflag:s0] =	ssyncset.done @!p0 $0x0  }
0x15e: {  	[sflag:s0] =	ssyncadd.s32 @!p0 s1  }
0x15f: {  	[bflag:$0x3] =	sbarrier.arrive $0xFFFF  }
0x160: {  	_ =	shalt  }

</sc_bundles>
